<compile_context>
chip_gen: v7x
topology: tpu7x:2x2x1
jax: 0.10.2.dev20260603
libtpu: 0.0.44.dev20260713+nightly
codegen_flags: <defaults>
</compile_context>

<pallas_src>
import functools

import jax
import jax.numpy as jnp
from jax import lax
from jax.experimental import pallas as pl
from jax.experimental.pallas import tpu as pltpu
from jax.experimental.pallas import tpu_sc as plsc

_M = 16
_XMIN = -3.5
_XMAX = 3.5
_NW = 32
_C = 2048
_L = 16


@functools.partial(jax.jit, static_argnums=(1, 2))
def _hat_spline_sc(xp, B, N):
    T = B * N
    spw = T // _NW
    nchunks = spw // _C
    ntiles_w = spw // 1024
    bplane = N * _M
    mplane = bplane // 2

    h = (_XMAX - _XMIN) / (_M - 1)
    inv_h = jnp.float32(1.0 / h)
    inv_d = jnp.float32(1.0 / (h + 1e-8))

    mesh = plsc.VectorSubcoreMesh(core_axis_name="c", subcore_axis_name="s")

    @functools.partial(
        pl.kernel,
        out_type=jax.ShapeDtypeStruct((T * _M,), jnp.float32),
        mesh=mesh,
        scratch_types=[
            pltpu.VMEM((_C,), jnp.float32),
            pltpu.VMEM((_C,), jnp.float32),
            pltpu.VMEM((_C * _M,), jnp.float32),
            pltpu.VMEM((_C * _M,), jnp.float32),
            pltpu.VMEM((_C,), jnp.int32),
            pltpu.VMEM((_C,), jnp.int32),
            pltpu.SemaphoreType.DMA,
            pltpu.SemaphoreType.DMA,
            pltpu.SemaphoreType.DMA,
            pltpu.SemaphoreType.DMA,
        ],
        compiler_params=pltpu.CompilerParams(needs_layout_passes=False),
    )
    def sc_kernel(x_hbm, out_hbm, xv0, xv1, ov0, ov1, ib0, ib1,
                  isem0, isem1, osem0, osem1):
        wid = lax.axis_index("s") * 2 + lax.axis_index("c")
        base = wid * spw
        bt = wid // (_NW // 2)
        ntbase = (wid % (_NW // 2)) * ntiles_w
        lanes = lax.iota(jnp.int32, _L)
        zeros = jnp.zeros((_L,), jnp.float32)
        bufs = ((xv0, ov0, ib0, isem0, osem0), (xv1, ov1, ib1, isem1, osem1))

        pltpu.async_copy(x_hbm.at[pl.ds(base, _C)], xv0, isem0)
        pltpu.async_copy(x_hbm.at[pl.ds(base + _C, _C)], xv1, isem1)

        for _, ov_b, ib_b, _, _ in bufs:

            @plsc.parallel_loop(0, _C * _M // _L, unroll=8)
            def _zero(k, ov_b=ov_b):
                ov_b[pl.ds(k * _L, _L)] = zeros

            @plsc.parallel_loop(0, _C // _L, unroll=4)
            def _init(j, ib_b=ib_b):
                base_j = (
                    ((j >> 3) & 7) * 4096 + (j >> 6) * 1024 + (j & 7) * _L
                )
                ib_b[pl.ds(j * _L, _L)] = base_j + lanes

        @pl.loop(0, nchunks // 2)
        def _chunks(cc):
            for b in range(2):
                xv_b, ov_b, ib_b, isem_b, osem_b = bufs[b]
                ci = cc * 2 + b
                off = base + ci * _C
                nt0 = ntbase + ci * 2

                @pl.when(cc > 0)
                def _drain(ov_b=ov_b, osem_b=osem_b):
                    pltpu.make_async_copy(
                        ov_b, out_hbm.at[pl.ds(0, _C * _M)], osem_b
                    ).wait()

                pltpu.make_async_copy(
                    x_hbm.at[pl.ds(0, _C)], xv_b, isem_b
                ).wait()

                @plsc.parallel_loop(0, _C // _L, unroll=4)
                def _fused(j, xv_b=xv_b, ov_b=ov_b, ib_b=ib_b):
                    xr = xv_b[pl.ds(j * _L, _L)]
                    fold = ib_b[pl.ds(j * _L, _L)]
                    dold = jnp.where(
                        ((fold >> 7) & 7) == 7, 1152, 128
                    ).astype(jnp.int32)
                    plsc.store_scatter(ov_b, [fold], zeros)
                    plsc.store_scatter(ov_b, [fold + dold], zeros)
                    xc = jnp.minimum(jnp.maximum(xr, _XMIN), _XMAX)
                    t = (xc - _XMIN) * inv_h
                    it = jnp.minimum(t.astype(jnp.int32), _M - 2)
                    x0 = it.astype(jnp.float32) * jnp.float32(h) + _XMIN
                    w = (xc - x0) * inv_d
                    base_j = (
                        ((j >> 3) & 7) * 4096 + (j >> 6) * 1024 + (j & 7) * _L
                    )
                    fidx = (
                        (base_j + lanes)
                        + ((it >> 3) << 11)
                        + ((it & 7) << 7)
                    )
                    dnew = jnp.where((it & 7) == 7, 1152, 128).astype(
                        jnp.int32
                    )
                    plsc.store_scatter(ov_b, [fidx], 1.0 - w)
                    plsc.store_scatter(ov_b, [fidx + dnew], w)
                    ib_b[pl.ds(j * _L, _L)] = fidx

                @pl.when(cc + 1 < nchunks // 2)
                def _prefetch(xv_b=xv_b, isem_b=isem_b, off=off):
                    pltpu.async_copy(
                        x_hbm.at[pl.ds(off + 2 * _C, _C)], xv_b, isem_b
                    )

                for bs in range(8):
                    for mt in range(2):
                        dst = (
                            (bt * 8 + bs) * bplane
                            + mt * mplane
                            + nt0 * 1024
                        )
                        pltpu.async_copy(
                            ov_b.at[pl.ds((bs * 2 + mt) * 2048, 2048)],
                            out_hbm.at[pl.ds(dst, 2048)],
                            osem_b,
                        )

        for _, ov_b, _, _, osem_b in bufs:
            pltpu.make_async_copy(
                ov_b, out_hbm.at[pl.ds(0, _C * _M)], osem_b
            ).wait()

    return sc_kernel(xp)


def kernel(x):
    B, N = x.shape
    xp = (
        x.reshape(B // 8, 8, N // 128, 128)
        .transpose(0, 2, 1, 3)
        .reshape(-1)
    )
    flat = _hat_spline_sc(xp, B, N)
    out = (
        flat.reshape(B, 2, N // 128, 8, 128)
        .transpose(0, 2, 4, 1, 3)
        .reshape(B, N, _M)
    )
    return out

# --- scband reference (transcript-rebuilt; emitter-appended) ---
"""Pipeline reference for scband-hat-spline1-d-5325759447258 (READ-ONLY COPY).

The authoritative reference and input builder live on the scoring server;
editing this copy changes nothing except your own understanding.
"""

import jax, jax.numpy as jnp
import numpy as np

M = 16
XMIN = -3.5
XMAX = 3.5


def setup_inputs(seed: int = 0) -> dict:
    key = jax.random.key(seed)
    x = jax.random.normal(key, (16, 131072), dtype=jnp.float32)
    return {"x": x}


def reference(x):
    grid = jnp.linspace(XMIN, XMAX, M, dtype=x.dtype)
    B, N = x.shape
    xf = x.reshape(-1)
    xf = jnp.clip(xf, grid[0], grid[-1])
    # torch.bucketize(x, grid, right=False) == searchsorted(grid, x, side='left')
    idx = jnp.searchsorted(grid, xf, side='left') - 1
    idx = jnp.clip(idx, 0, M - 2)
    x0 = grid[idx]
    x1 = grid[idx + 1]
    w = (xf - x0) / (x1 - x0 + 1e-08)
    T = B * N
    rows = jnp.arange(T)
    Phi = jnp.zeros((T, M), dtype=x.dtype)
    Phi = Phi.at[rows, idx].add(1.0 - w)
    Phi = Phi.at[rows, idx + 1].add(w)
    return Phi.reshape(B, N, M)

if __name__ == "__main__":
    import jax
    _d = setup_inputs()
    print(jax.jit(kernel)(*tuple(_d.values())))

</pallas_src>

<mosaic_0001>
#map = affine_map<(d0, d1) -> (0)>
module attributes {stable_mosaic.version = 14 : i64} {
  func.func @_rewritten_body(%arg0: i32, %arg1: i32, %arg2: memref<2097152xf32, #tpu.memory_space<hbm>>, %arg3: memref<1xf32, #tpu.memory_space<hbm>>, %arg4: memref<1xf32, #tpu.memory_space<hbm>>, %arg5: memref<33554432xf32, #tpu.memory_space<hbm>>, %arg6: memref<2048xf32, #tpu.memory_space<vmem>>, %arg7: memref<2048xf32, #tpu.memory_space<vmem>>, %arg8: memref<32768xf32, #tpu.memory_space<vmem>>, %arg9: memref<32768xf32, #tpu.memory_space<vmem>>, %arg10: memref<2048xi32, #tpu.memory_space<vmem>>, %arg11: memref<2048xi32, #tpu.memory_space<vmem>>, %arg12: memref<!tpu.dma_semaphore, #tpu.memory_space<semaphore_mem>>, %arg13: memref<!tpu.dma_semaphore, #tpu.memory_space<semaphore_mem>>, %arg14: memref<!tpu.dma_semaphore, #tpu.memory_space<semaphore_mem>>, %arg15: memref<!tpu.dma_semaphore, #tpu.memory_space<semaphore_mem>>) attributes {dimension_semantics = [#tpu.dimension_semantics<core_parallel>, #tpu.dimension_semantics<subcore_parallel>], iteration_bounds = array<i64: 2, 16>, scalar_prefetch = 0 : i64, scratch_operands = 10 : i64, tpu.core_type = #tpu.core_type<sc_vector_subcore>, window_params = [{transform_indices = #map}, {transform_indices = #map}, {transform_indices = #map}, {transform_indices = #map}]} {
    %empty_ref3A = memref.alloca() : memref<16xf32, #tpu.memory_space<vmem>>
    %empty_ref3A_0 = memref.alloca() : memref<16xf32, #tpu.memory_space<vmem>>
    "tpu.region"() ({
      %run_scoped3A = tpu.sem_alloc : memref<!tpu.dma_semaphore, #tpu.memory_space<semaphore_mem>>
      %dma_start3A_69 = arith.constant 0 : i32
      %dma_start3A_70 = tpu.memref_slice %empty_ref3A[%dma_start3A_69] : memref<16xf32, #tpu.memory_space<vmem>> -> memref<1xf32, #tpu.memory_space<vmem>>
      %dma_start3A_71 = arith.constant 0 : i32
      %dma_start3A_72 = tpu.memref_slice %empty_ref3A[%dma_start3A_71] : memref<16xf32, #tpu.memory_space<vmem>> -> memref<1xf32, #tpu.memory_space<vmem>>
      tpu.enqueue_dma source(%arg3 : memref<1xf32, #tpu.memory_space<hbm>>) target(%dma_start3A_72 : memref<1xf32, #tpu.memory_space<vmem>>) target_semaphore(%run_scoped3A : memref<!tpu.dma_semaphore, #tpu.memory_space<semaphore_mem>>)
      %dma_start3A_73 = arith.constant 0 : i32
      %dma_start3A_74 = tpu.memref_slice %empty_ref3A_0[%dma_start3A_73] : memref<16xf32, #tpu.memory_space<vmem>> -> memref<1xf32, #tpu.memory_space<vmem>>
      %dma_start3A_75 = arith.constant 0 : i32
      %dma_start3A_76 = tpu.memref_slice %empty_ref3A_0[%dma_start3A_75] : memref<16xf32, #tpu.memory_space<vmem>> -> memref<1xf32, #tpu.memory_space<vmem>>
      tpu.enqueue_dma source(%arg4 : memref<1xf32, #tpu.memory_space<hbm>>) target(%dma_start3A_76 : memref<1xf32, #tpu.memory_space<vmem>>) target_semaphore(%run_scoped3A : memref<!tpu.dma_semaphore, #tpu.memory_space<semaphore_mem>>)
      %dma_wait3A_77 = arith.constant 0 : i32
      %dma_wait3A_78 = tpu.memref_slice %empty_ref3A[%dma_wait3A_77] : memref<16xf32, #tpu.memory_space<vmem>> -> memref<1xf32, #tpu.memory_space<vmem>>
      %dma_wait3A_79 = arith.constant 0 : i32
      %dma_wait3A_80 = tpu.memref_slice %empty_ref3A[%dma_wait3A_79] : memref<16xf32, #tpu.memory_space<vmem>> -> memref<1xf32, #tpu.memory_space<vmem>>
      tpu.wait_dma2 semaphore(%run_scoped3A : memref<!tpu.dma_semaphore, #tpu.memory_space<semaphore_mem>>) src(%arg3 : memref<1xf32, #tpu.memory_space<hbm>>) dst(%dma_wait3A_80 : memref<1xf32, #tpu.memory_space<vmem>>)
      %dma_wait3A_81 = arith.constant 0 : i32
      %dma_wait3A_82 = tpu.memref_slice %empty_ref3A_0[%dma_wait3A_81] : memref<16xf32, #tpu.memory_space<vmem>> -> memref<1xf32, #tpu.memory_space<vmem>>
      %dma_wait3A_83 = arith.constant 0 : i32
      %dma_wait3A_84 = tpu.memref_slice %empty_ref3A_0[%dma_wait3A_83] : memref<16xf32, #tpu.memory_space<vmem>> -> memref<1xf32, #tpu.memory_space<vmem>>
      tpu.wait_dma2 semaphore(%run_scoped3A : memref<!tpu.dma_semaphore, #tpu.memory_space<semaphore_mem>>) src(%arg4 : memref<1xf32, #tpu.memory_space<hbm>>) dst(%dma_wait3A_84 : memref<1xf32, #tpu.memory_space<vmem>>)
      tpu.yield
    }) : () -> ()
    %get3A = arith.constant 0 : index
    %get3A_1 = tpu.vector_load %empty_ref3A[%get3A] {strides = array<i32>} : memref<16xf32, #tpu.memory_space<vmem>>, vector<16xf32>,
    %slice3A = vector.extract_strided_slice %get3A_1 {offsets = [0], sizes = [1], strides = [1]} : vector<16xf32> to vector<1xf32>
    %squeeze3A = vector.extract %slice3A[0] : f32 from vector<1xf32>
    %get3A_2 = arith.constant 0 : index
    %get3A_3 = tpu.vector_load %empty_ref3A_0[%get3A_2] {strides = array<i32>} : memref<16xf32, #tpu.memory_space<vmem>>, vector<16xf32>,
    %slice3A_4 = vector.extract_strided_slice %get3A_3 {offsets = [0], sizes = [1], strides = [1]} : vector<16xf32> to vector<1xf32>
    %squeeze3A_5 = vector.extract %slice3A_4[0] : f32 from vector<1xf32>
    %mul3A = arith.constant 2 : i32
    %mul3A_6 = arith.muli %arg1, %mul3A : i32
    %add3A = arith.addi %mul3A_6, %arg0 : i32
    %mul3A_7 = arith.constant 65536 : i32
    %mul3A_8 = arith.muli %add3A, %mul3A_7 : i32
    %jit3A = arith.constant 16 : i32
    %div3A = arith.divsi %add3A, %jit3A : i32
    %sign3A = arith.constant 0 : i32
    %sign3A_9 = arith.cmpi sgt, %add3A, %sign3A : i32
    %sign3A_10 = arith.extui %sign3A_9 : i1 to i32
    %sign3A_11 = arith.constant 0 : i32
    %sign3A_12 = arith.cmpi slt, %add3A, %sign3A_11 : i32
    %sign3A_13 = arith.extui %sign3A_12 : i1 to i32
    %sign3A_14 = arith.subi %sign3A_10, %sign3A_13 : i32
    %sign3A_15 = arith.constant 0 : i32
    %sign3A_16 = arith.cmpi sgt, %jit3A, %sign3A_15 : i32
    %sign3A_17 = arith.extui %sign3A_16 : i1 to i32
    %sign3A_18 = arith.constant 0 : i32
    %sign3A_19 = arith.cmpi slt, %jit3A, %sign3A_18 : i32
    %sign3A_20 = arith.extui %sign3A_19 : i1 to i32
    %sign3A_21 = arith.subi %sign3A_17, %sign3A_20 : i32
    %ne3A = arith.cmpi ne, %sign3A_14, %sign3A_21 : i32
    %rem3A = arith.remsi %add3A, %jit3A : i32
    %ne3A_22 = arith.constant 0 : i32
    %ne3A_23 = arith.cmpi ne, %rem3A, %ne3A_22 : i32
    %and3A = arith.andi %ne3A, %ne3A_23 : i1
    %sub3A = arith.constant 1 : i32
    %sub3A_24 = arith.subi %div3A, %sub3A : i32
    %select_n3A = arith.select %and3A, %sub3A_24, %div3A : i32
    %jit3A_25 = arith.constant 16 : i32
    %eq3A = arith.constant 0 : i32
    %eq3A_26 = arith.cmpi eq, %jit3A_25, %eq3A : i32
    %jit3A_27 = arith.constant 1 : i32
    %select_n3A_28 = arith.select %eq3A_26, %jit3A_27, %jit3A_25 : i32
    %rem3A_29 = arith.remsi %add3A, %select_n3A_28 : i32
    %ne3A_30 = arith.constant 0 : i32
    %ne3A_31 = arith.cmpi ne, %rem3A_29, %ne3A_30 : i32
    %lt3A = arith.constant 0 : i32
    %lt3A_32 = arith.cmpi slt, %rem3A_29, %lt3A : i32
    %lt3A_33 = arith.constant 0 : i32
    %lt3A_34 = arith.cmpi slt, %select_n3A_28, %lt3A_33 : i32
    %ne3A_35 = arith.xori %lt3A_32, %lt3A_34 : i1
    %and3A_36 = arith.andi %ne3A_35, %ne3A_31 : i1
    %add3A_37 = arith.addi %rem3A_29, %select_n3A_28 : i32
    %select_n3A_38 = arith.select %and3A_36, %add3A_37, %rem3A_29 : i32
    %mul3A_39 = arith.constant 64 : i32
    %mul3A_40 = arith.muli %select_n3A_38, %mul3A_39 : i32
    %iota3A = tpu.iota {dimensions = array<i32: 0>} : vector<16xi32>
    %broadcast_in_dim3A = arith.constant 0.000000e+00 : f32
    %broadcast_in_dim3A_41 = vector.broadcast %broadcast_in_dim3A : f32 to vector<16xf32>
    %dma_start3A = tpu.memref_slice %arg2[%mul3A_8] : memref<2097152xf32, #tpu.memory_space<hbm>> -> memref<2048xf32, #tpu.memory_space<hbm>>
    %dma_start3A_42 = tpu.memref_slice %arg2[%mul3A_8] : memref<2097152xf32, #tpu.memory_space<hbm>> -> memref<2048xf32, #tpu.memory_space<hbm>>
    tpu.enqueue_dma source(%dma_start3A_42 : memref<2048xf32, #tpu.memory_space<hbm>>) target(%arg6 : memref<2048xf32, #tpu.memory_space<vmem>>) target_semaphore(%arg12 : memref<!tpu.dma_semaphore, #tpu.memory_space<semaphore_mem>>)
    %add3A_43 = arith.constant 2048 : i32
    %add3A_44 = arith.addi %mul3A_8, %add3A_43 : i32
    %dma_start3A_45 = tpu.memref_slice %arg2[%add3A_44] : memref<2097152xf32, #tpu.memory_space<hbm>> -> memref<2048xf32, #tpu.memory_space<hbm>>
    %dma_start3A_46 = tpu.memref_slice %arg2[%add3A_44] : memref<2097152xf32, #tpu.memory_space<hbm>> -> memref<2048xf32, #tpu.memory_space<hbm>>
    tpu.enqueue_dma source(%dma_start3A_46 : memref<2048xf32, #tpu.memory_space<hbm>>) target(%arg7 : memref<2048xf32, #tpu.memory_space<vmem>>) target_semaphore(%arg13 : memref<!tpu.dma_semaphore, #tpu.memory_space<semaphore_mem>>)
    %parallel_loop3A = arith.constant 0 : i32
    %parallel_loop3A_47 = arith.constant 2048 : i32
    %parallel_loop3A_48 = arith.constant 1 : i32
    scf.for %parallel_loop3A_69 = %parallel_loop3A to %parallel_loop3A_47 step %parallel_loop3A_48  : i32 {
      %parallel_loop3A_70 = arith.constant 16 : i32
      %parallel_loop3A_71 = arith.muli %parallel_loop3A_69, %parallel_loop3A_70 : i32
      %parallel_loop3A_72 = arith.index_cast %parallel_loop3A_71 : i32 to index
      %parallel_loop3A_73 = tpu.vector_load %arg8[%parallel_loop3A_72] {strides = array<i32>} : memref<32768xf32, #tpu.memory_space<vmem>>, vector<16xf32>,
      tpu.vector_store %arg8[%parallel_loop3A_72], %broadcast_in_dim3A_41 {strides = array<i32>} : memref<32768xf32, #tpu.memory_space<vmem>>, vector<16xf32>,
    } {sc.loop_unroll_factor = 8 : i64, sc.parallel_access}
    %parallel_loop3A_49 = arith.constant 0 : i32
    %parallel_loop3A_50 = arith.constant 128 : i32
    %parallel_loop3A_51 = arith.constant 1 : i32
    scf.for %parallel_loop3A_69 = %parallel_loop3A_49 to %parallel_loop3A_50 step %parallel_loop3A_51  : i32 {
      %parallel_loop3A_70 = arith.constant 3 : i32
      %parallel_loop3A_71 = arith.shrsi %parallel_loop3A_69, %parallel_loop3A_70 : i32
      %parallel_loop3A_72 = arith.constant 7 : i32
      %parallel_loop3A_73 = arith.andi %parallel_loop3A_71, %parallel_loop3A_72 : i32
      %parallel_loop3A_74 = arith.constant 4096 : i32
      %parallel_loop3A_75 = arith.muli %parallel_loop3A_73, %parallel_loop3A_74 : i32
      %parallel_loop3A_76 = arith.constant 6 : i32
      %parallel_loop3A_77 = arith.shrsi %parallel_loop3A_69, %parallel_loop3A_76 : i32
      %parallel_loop3A_78 = arith.constant 1024 : i32
      %parallel_loop3A_79 = arith.muli %parallel_loop3A_77, %parallel_loop3A_78 : i32
      %parallel_loop3A_80 = arith.addi %parallel_loop3A_75, %parallel_loop3A_79 : i32
      %parallel_loop3A_81 = arith.constant 7 : i32
      %parallel_loop3A_82 = arith.andi %parallel_loop3A_69, %parallel_loop3A_81 : i32
      %parallel_loop3A_83 = arith.constant 16 : i32
      %parallel_loop3A_84 = arith.muli %parallel_loop3A_82, %parallel_loop3A_83 : i32
      %parallel_loop3A_85 = arith.addi %parallel_loop3A_80, %parallel_loop3A_84 : i32
      %parallel_loop3A_86 = vector.broadcast %parallel_loop3A_85 : i32 to vector<16xi32>
      %parallel_loop3A_87 = arith.addi %parallel_loop3A_86, %iota3A : vector<16xi32>
      %parallel_loop3A_88 = arith.constant 16 : i32
      %parallel_loop3A_89 = arith.muli %parallel_loop3A_69, %parallel_loop3A_88 : i32
      %parallel_loop3A_90 = arith.index_cast %parallel_loop3A_89 : i32 to index
      %parallel_loop3A_91 = tpu.vector_load %arg10[%parallel_loop3A_90] {strides = array<i32>} : memref<2048xi32, #tpu.memory_space<vmem>>, vector<16xi32>,
      tpu.vector_store %arg10[%parallel_loop3A_90], %parallel_loop3A_87 {strides = array<i32>} : memref<2048xi32, #tpu.memory_space<vmem>>, vector<16xi32>,
    } {sc.loop_unroll_factor = 4 : i64, sc.parallel_access}
    %parallel_loop3A_52 = arith.constant 0 : i32
    %parallel_loop3A_53 = arith.constant 2048 : i32
    %parallel_loop3A_54 = arith.constant 1 : i32
    scf.for %parallel_loop3A_69 = %parallel_loop3A_52 to %parallel_loop3A_53 step %parallel_loop3A_54  : i32 {
      %parallel_loop3A_70 = arith.constant 16 : i32
      %parallel_loop3A_71 = arith.muli %parallel_loop3A_69, %parallel_loop3A_70 : i32
      %parallel_loop3A_72 = arith.index_cast %parallel_loop3A_71 : i32 to index
      %parallel_loop3A_73 = tpu.vector_load %arg9[%parallel_loop3A_72] {strides = array<i32>} : memref<32768xf32, #tpu.memory_space<vmem>>, vector<16xf32>,
      tpu.vector_store %arg9[%parallel_loop3A_72], %broadcast_in_dim3A_41 {strides = array<i32>} : memref<32768xf32, #tpu.memory_space<vmem>>, vector<16xf32>,
    } {sc.loop_unroll_factor = 8 : i64, sc.parallel_access}
    %parallel_loop3A_55 = arith.constant 0 : i32
    %parallel_loop3A_56 = arith.constant 128 : i32
    %parallel_loop3A_57 = arith.constant 1 : i32
    scf.for %parallel_loop3A_69 = %parallel_loop3A_55 to %parallel_loop3A_56 step %parallel_loop3A_57  : i32 {
      %parallel_loop3A_70 = arith.constant 3 : i32
      %parallel_loop3A_71 = arith.shrsi %parallel_loop3A_69, %parallel_loop3A_70 : i32
      %parallel_loop3A_72 = arith.constant 7 : i32
      %parallel_loop3A_73 = arith.andi %parallel_loop3A_71, %parallel_loop3A_72 : i32
      %parallel_loop3A_74 = arith.constant 4096 : i32
      %parallel_loop3A_75 = arith.muli %parallel_loop3A_73, %parallel_loop3A_74 : i32
      %parallel_loop3A_76 = arith.constant 6 : i32
      %parallel_loop3A_77 = arith.shrsi %parallel_loop3A_69, %parallel_loop3A_76 : i32
      %parallel_loop3A_78 = arith.constant 1024 : i32
      %parallel_loop3A_79 = arith.muli %parallel_loop3A_77, %parallel_loop3A_78 : i32
      %parallel_loop3A_80 = arith.addi %parallel_loop3A_75, %parallel_loop3A_79 : i32
      %parallel_loop3A_81 = arith.constant 7 : i32
      %parallel_loop3A_82 = arith.andi %parallel_loop3A_69, %parallel_loop3A_81 : i32
      %parallel_loop3A_83 = arith.constant 16 : i32
      %parallel_loop3A_84 = arith.muli %parallel_loop3A_82, %parallel_loop3A_83 : i32
      %parallel_loop3A_85 = arith.addi %parallel_loop3A_80, %parallel_loop3A_84 : i32
      %parallel_loop3A_86 = vector.broadcast %parallel_loop3A_85 : i32 to vector<16xi32>
      %parallel_loop3A_87 = arith.addi %parallel_loop3A_86, %iota3A : vector<16xi32>
      %parallel_loop3A_88 = arith.constant 16 : i32
      %parallel_loop3A_89 = arith.muli %parallel_loop3A_69, %parallel_loop3A_88 : i32
      %parallel_loop3A_90 = arith.index_cast %parallel_loop3A_89 : i32 to index
      %parallel_loop3A_91 = tpu.vector_load %arg11[%parallel_loop3A_90] {strides = array<i32>} : memref<2048xi32, #tpu.memory_space<vmem>>, vector<16xi32>,
      tpu.vector_store %arg11[%parallel_loop3A_90], %parallel_loop3A_87 {strides = array<i32>} : memref<2048xi32, #tpu.memory_space<vmem>>, vector<16xi32>,
    } {sc.loop_unroll_factor = 4 : i64, sc.parallel_access}
    %scan3A = arith.constant 0 : i32
    %scan3A_58 = arith.constant 16 : i32
    %scan3A_59 = arith.addi %scan3A, %scan3A_58 : i32
    %scan3A_60 = arith.constant 1 : i32
    scf.for %scan3A_69 = %scan3A to %scan3A_59 step %scan3A_60  : i32 {
      %mul3A_70 = arith.constant 1 : i32
      %mul3A_71 = arith.muli %scan3A_69, %mul3A_70 : i32
      %add3A_72 = arith.constant 0 : i32
      %add3A_73 = arith.addi %add3A_72, %mul3A_71 : i32
      %mul3A_74 = arith.constant 2 : i32
      %mul3A_75 = arith.muli %add3A_73, %mul3A_74 : i32
      %add3A_76 = arith.constant 0 : i32
      %add3A_77 = arith.addi %mul3A_75, %add3A_76 : i32
      %mul3A_78 = arith.constant 2048 : i32
      %mul3A_79 = arith.muli %add3A_77, %mul3A_78 : i32
      %add3A_80 = arith.addi %mul3A_8, %mul3A_79 : i32
      %mul3A_81 = arith.constant 2 : i32
      %mul3A_82 = arith.muli %add3A_77, %mul3A_81 : i32
      %add3A_83 = arith.addi %mul3A_40, %mul3A_82 : i32
      %gt3A = arith.constant 0 : i32
      %gt3A_84 = arith.cmpi sgt, %add3A_73, %gt3A : i32
      %convert_element_type3A = arith.extui %gt3A_84 : i1 to i32
      %cond3A = arith.constant 0 : i32
      %cond3A_85 = arith.cmpi ne, %convert_element_type3A, %cond3A : i32
      scf.if %cond3A_85 {
        %dma_wait3A_673 = arith.constant 0 : i32
        %dma_wait3A_674 = tpu.memref_slice %arg5[%dma_wait3A_673] : memref<33554432xf32, #tpu.memory_space<hbm>> -> memref<32768xf32, #tpu.memory_space<hbm>>
        %dma_wait3A_675 = arith.constant 0 : i32
        %dma_wait3A_676 = tpu.memref_slice %arg5[%dma_wait3A_675] : memref<33554432xf32, #tpu.memory_space<hbm>> -> memref<32768xf32, #tpu.memory_space<hbm>>
        tpu.wait_dma2 semaphore(%arg14 : memref<!tpu.dma_semaphore, #tpu.memory_space<semaphore_mem>>) src(%arg8 : memref<32768xf32, #tpu.memory_space<vmem>>) dst(%dma_wait3A_676 : memref<32768xf32, #tpu.memory_space<hbm>>)
      } else {
      }
      %dma_wait3A_86 = arith.constant 0 : i32
      %dma_wait3A_87 = tpu.memref_slice %arg2[%dma_wait3A_86] : memref<2097152xf32, #tpu.memory_space<hbm>> -> memref<2048xf32, #tpu.memory_space<hbm>>
      %dma_wait3A_88 = arith.constant 0 : i32
      %dma_wait3A_89 = tpu.memref_slice %arg2[%dma_wait3A_88] : memref<2097152xf32, #tpu.memory_space<hbm>> -> memref<2048xf32, #tpu.memory_space<hbm>>
      tpu.wait_dma2 semaphore(%arg12 : memref<!tpu.dma_semaphore, #tpu.memory_space<semaphore_mem>>) src(%dma_wait3A_89 : memref<2048xf32, #tpu.memory_space<hbm>>) dst(%arg6 : memref<2048xf32, #tpu.memory_space<vmem>>)
      %parallel_loop3A_90 = arith.constant 0 : i32
      %parallel_loop3A_91 = arith.constant 128 : i32
      %parallel_loop3A_92 = arith.constant 1 : i32
      scf.for %parallel_loop3A_673 = %parallel_loop3A_90 to %parallel_loop3A_91 step %parallel_loop3A_92  : i32 {
        %parallel_loop3A_674 = arith.constant 16 : i32
        %parallel_loop3A_675 = arith.muli %parallel_loop3A_673, %parallel_loop3A_674 : i32
        %parallel_loop3A_676 = arith.index_cast %parallel_loop3A_675 : i32 to index
        %parallel_loop3A_677 = tpu.vector_load %arg6[%parallel_loop3A_676] {strides = array<i32>} : memref<2048xf32, #tpu.memory_space<vmem>>, vector<16xf32>,
        %parallel_loop3A_678 = arith.constant 16 : i32
        %parallel_loop3A_679 = arith.muli %parallel_loop3A_673, %parallel_loop3A_678 : i32
        %parallel_loop3A_680 = arith.index_cast %parallel_loop3A_679 : i32 to index
        %parallel_loop3A_681 = tpu.vector_load %arg10[%parallel_loop3A_680] {strides = array<i32>} : memref<2048xi32, #tpu.memory_space<vmem>>, vector<16xi32>,
        %parallel_loop3A_682 = arith.constant 7 : i32
        %parallel_loop3A_683 = vector.broadcast %parallel_loop3A_682 : i32 to vector<16xi32>
        %parallel_loop3A_684 = arith.shrsi %parallel_loop3A_681, %parallel_loop3A_683 : vector<16xi32>
        %parallel_loop3A_685 = arith.constant 7 : i32
        %parallel_loop3A_686 = vector.broadcast %parallel_loop3A_685 : i32 to vector<16xi32>
        %parallel_loop3A_687 = arith.andi %parallel_loop3A_684, %parallel_loop3A_686 : vector<16xi32>
        %parallel_loop3A_688 = arith.constant 7 : i32
        %parallel_loop3A_689 = vector.broadcast %parallel_loop3A_688 : i32 to vector<16xi32>
        %parallel_loop3A_690 = arith.cmpi eq, %parallel_loop3A_687, %parallel_loop3A_689 : vector<16xi32>
        %parallel_loop3A_691 = arith.constant 1152 : i32
        %parallel_loop3A_692 = arith.constant 128 : i32
        %parallel_loop3A_693 = vector.broadcast %parallel_loop3A_691 : i32 to vector<16xi32>
        %parallel_loop3A_694 = vector.broadcast %parallel_loop3A_692 : i32 to vector<16xi32>
        %parallel_loop3A_695 = arith.select %parallel_loop3A_690, %parallel_loop3A_693, %parallel_loop3A_694 : vector<16xi1>, vector<16xi32>
        tpu.vector_store_idx %arg8[%parallel_loop3A_681], %broadcast_in_dim3A_41 : memref<32768xf32, #tpu.memory_space<vmem>>[vector<16xi32>], vector<16xf32>,
        %parallel_loop3A_696 = arith.addi %parallel_loop3A_681, %parallel_loop3A_695 : vector<16xi32>
        tpu.vector_store_idx %arg8[%parallel_loop3A_696], %broadcast_in_dim3A_41 : memref<32768xf32, #tpu.memory_space<vmem>>[vector<16xi32>], vector<16xf32>,
        %parallel_loop3A_697 = arith.constant -3.500000e+00 : f32
        %parallel_loop3A_698 = vector.broadcast %parallel_loop3A_697 : f32 to vector<16xf32>
        %parallel_loop3A_699 = arith.maximumf %parallel_loop3A_677, %parallel_loop3A_698 : vector<16xf32>
        %parallel_loop3A_700 = arith.constant 3.500000e+00 : f32
        %parallel_loop3A_701 = vector.broadcast %parallel_loop3A_700 : f32 to vector<16xf32>
        %parallel_loop3A_702 = arith.minimumf %parallel_loop3A_699, %parallel_loop3A_701 : vector<16xf32>
        %parallel_loop3A_703 = arith.constant -3.500000e+00 : f32
        %parallel_loop3A_704 = vector.broadcast %parallel_loop3A_703 : f32 to vector<16xf32>
        %parallel_loop3A_705 = arith.subf %parallel_loop3A_702, %parallel_loop3A_704 : vector<16xf32>
        %parallel_loop3A_706 = vector.broadcast %squeeze3A : f32 to vector<16xf32>
        %parallel_loop3A_707 = arith.mulf %parallel_loop3A_705, %parallel_loop3A_706 : vector<16xf32>
        %parallel_loop3A_708 = arith.fptosi %parallel_loop3A_707 : vector<16xf32> to vector<16xi32>
        %parallel_loop3A_709 = arith.constant 14 : i32
        %parallel_loop3A_710 = vector.broadcast %parallel_loop3A_709 : i32 to vector<16xi32>
        %parallel_loop3A_711 = arith.minsi %parallel_loop3A_708, %parallel_loop3A_710 : vector<16xi32>
        %parallel_loop3A_712 = arith.sitofp %parallel_loop3A_711 : vector<16xi32> to vector<16xf32>
        %parallel_loop3A_713 = arith.constant 0.466666669 : f32
        %parallel_loop3A_714 = vector.broadcast %parallel_loop3A_713 : f32 to vector<16xf32>
        %parallel_loop3A_715 = arith.mulf %parallel_loop3A_712, %parallel_loop3A_714 : vector<16xf32>
        %parallel_loop3A_716 = arith.constant -3.500000e+00 : f32
        %parallel_loop3A_717 = vector.broadcast %parallel_loop3A_716 : f32 to vector<16xf32>
        %parallel_loop3A_718 = arith.addf %parallel_loop3A_715, %parallel_loop3A_717 : vector<16xf32>
        %parallel_loop3A_719 = arith.subf %parallel_loop3A_702, %parallel_loop3A_718 : vector<16xf32>
        %parallel_loop3A_720 = vector.broadcast %squeeze3A_5 : f32 to vector<16xf32>
        %parallel_loop3A_721 = arith.mulf %parallel_loop3A_719, %parallel_loop3A_720 : vector<16xf32>
        %parallel_loop3A_722 = arith.constant 3 : i32
        %parallel_loop3A_723 = arith.shrsi %parallel_loop3A_673, %parallel_loop3A_722 : i32
        %parallel_loop3A_724 = arith.constant 7 : i32
        %parallel_loop3A_725 = arith.andi %parallel_loop3A_723, %parallel_loop3A_724 : i32
        %parallel_loop3A_726 = arith.constant 4096 : i32
        %parallel_loop3A_727 = arith.muli %parallel_loop3A_725, %parallel_loop3A_726 : i32
        %parallel_loop3A_728 = arith.constant 6 : i32
        %parallel_loop3A_729 = arith.shrsi %parallel_loop3A_673, %parallel_loop3A_728 : i32
        %parallel_loop3A_730 = arith.constant 1024 : i32
        %parallel_loop3A_731 = arith.muli %parallel_loop3A_729, %parallel_loop3A_730 : i32
        %parallel_loop3A_732 = arith.addi %parallel_loop3A_727, %parallel_loop3A_731 : i32
        %parallel_loop3A_733 = arith.constant 7 : i32
        %parallel_loop3A_734 = arith.andi %parallel_loop3A_673, %parallel_loop3A_733 : i32
        %parallel_loop3A_735 = arith.constant 16 : i32
        %parallel_loop3A_736 = arith.muli %parallel_loop3A_734, %parallel_loop3A_735 : i32
        %parallel_loop3A_737 = arith.addi %parallel_loop3A_732, %parallel_loop3A_736 : i32
        %parallel_loop3A_738 = vector.broadcast %parallel_loop3A_737 : i32 to vector<16xi32>
        %parallel_loop3A_739 = arith.addi %parallel_loop3A_738, %iota3A : vector<16xi32>
        %parallel_loop3A_740 = arith.constant 3 : i32
        %parallel_loop3A_741 = vector.broadcast %parallel_loop3A_740 : i32 to vector<16xi32>
        %parallel_loop3A_742 = arith.shrsi %parallel_loop3A_711, %parallel_loop3A_741 : vector<16xi32>
        %parallel_loop3A_743 = arith.constant 11 : i32
        %parallel_loop3A_744 = vector.broadcast %parallel_loop3A_743 : i32 to vector<16xi32>
        %parallel_loop3A_745 = arith.shli %parallel_loop3A_742, %parallel_loop3A_744 : vector<16xi32>
        %parallel_loop3A_746 = arith.addi %parallel_loop3A_739, %parallel_loop3A_745 : vector<16xi32>
        %parallel_loop3A_747 = arith.constant 7 : i32
        %parallel_loop3A_748 = vector.broadcast %parallel_loop3A_747 : i32 to vector<16xi32>
        %parallel_loop3A_749 = arith.andi %parallel_loop3A_711, %parallel_loop3A_748 : vector<16xi32>
        %parallel_loop3A_750 = arith.constant 7 : i32
        %parallel_loop3A_751 = vector.broadcast %parallel_loop3A_750 : i32 to vector<16xi32>
        %parallel_loop3A_752 = arith.shli %parallel_loop3A_749, %parallel_loop3A_751 : vector<16xi32>
        %parallel_loop3A_753 = arith.addi %parallel_loop3A_746, %parallel_loop3A_752 : vector<16xi32>
        %parallel_loop3A_754 = arith.constant 7 : i32
        %parallel_loop3A_755 = vector.broadcast %parallel_loop3A_754 : i32 to vector<16xi32>
        %parallel_loop3A_756 = arith.andi %parallel_loop3A_711, %parallel_loop3A_755 : vector<16xi32>
        %parallel_loop3A_757 = arith.constant 7 : i32
        %parallel_loop3A_758 = vector.broadcast %parallel_loop3A_757 : i32 to vector<16xi32>
        %parallel_loop3A_759 = arith.cmpi eq, %parallel_loop3A_756, %parallel_loop3A_758 : vector<16xi32>
        %parallel_loop3A_760 = arith.constant 1152 : i32
        %parallel_loop3A_761 = arith.constant 128 : i32
        %parallel_loop3A_762 = vector.broadcast %parallel_loop3A_760 : i32 to vector<16xi32>
        %parallel_loop3A_763 = vector.broadcast %parallel_loop3A_761 : i32 to vector<16xi32>
        %parallel_loop3A_764 = arith.select %parallel_loop3A_759, %parallel_loop3A_762, %parallel_loop3A_763 : vector<16xi1>, vector<16xi32>
        %parallel_loop3A_765 = arith.constant 1.000000e+00 : f32
        %parallel_loop3A_766 = vector.broadcast %parallel_loop3A_765 : f32 to vector<16xf32>
        %parallel_loop3A_767 = arith.subf %parallel_loop3A_766, %parallel_loop3A_721 : vector<16xf32>
        tpu.vector_store_idx %arg8[%parallel_loop3A_753], %parallel_loop3A_767 : memref<32768xf32, #tpu.memory_space<vmem>>[vector<16xi32>], vector<16xf32>,
        %parallel_loop3A_768 = arith.addi %parallel_loop3A_753, %parallel_loop3A_764 : vector<16xi32>
        tpu.vector_store_idx %arg8[%parallel_loop3A_768], %parallel_loop3A_721 : memref<32768xf32, #tpu.memory_space<vmem>>[vector<16xi32>], vector<16xf32>,
        %parallel_loop3A_769 = arith.constant 16 : i32
        %parallel_loop3A_770 = arith.muli %parallel_loop3A_673, %parallel_loop3A_769 : i32
        %parallel_loop3A_771 = arith.index_cast %parallel_loop3A_770 : i32 to index
        %parallel_loop3A_772 = tpu.vector_load %arg10[%parallel_loop3A_771] {strides = array<i32>} : memref<2048xi32, #tpu.memory_space<vmem>>, vector<16xi32>,
        tpu.vector_store %arg10[%parallel_loop3A_771], %parallel_loop3A_753 {strides = array<i32>} : memref<2048xi32, #tpu.memory_space<vmem>>, vector<16xi32>,
      } {sc.loop_unroll_factor = 4 : i64, sc.parallel_access}
      %add3A_93 = arith.constant 1 : i32
      %add3A_94 = arith.addi %add3A_73, %add3A_93 : i32
      %lt3A_95 = arith.constant 16 : i32
      %lt3A_96 = arith.cmpi slt, %add3A_94, %lt3A_95 : i32
      %convert_element_type3A_97 = arith.extui %lt3A_96 : i1 to i32
      %cond3A_98 = arith.constant 0 : i32
      %cond3A_99 = arith.cmpi ne, %convert_element_type3A_97, %cond3A_98 : i32
      scf.if %cond3A_99 {
        %add3A_673 = arith.constant 4096 : i32
        %add3A_674 = arith.addi %add3A_80, %add3A_673 : i32
        %dma_start3A_675 = tpu.memref_slice %arg2[%add3A_674] : memref<2097152xf32, #tpu.memory_space<hbm>> -> memref<2048xf32, #tpu.memory_space<hbm>>
        %dma_start3A_676 = tpu.memref_slice %arg2[%add3A_674] : memref<2097152xf32, #tpu.memory_space<hbm>> -> memref<2048xf32, #tpu.memory_space<hbm>>
        tpu.enqueue_dma source(%dma_start3A_676 : memref<2048xf32, #tpu.memory_space<hbm>>) target(%arg6 : memref<2048xf32, #tpu.memory_space<vmem>>) target_semaphore(%arg12 : memref<!tpu.dma_semaphore, #tpu.memory_space<semaphore_mem>>)
      } else {
      }
      %mul3A_100 = arith.constant 8 : i32
      %mul3A_101 = arith.muli %select_n3A, %mul3A_100 : i32
      %add3A_102 = arith.constant 0 : i32
      %add3A_103 = arith.addi %mul3A_101, %add3A_102 : i32
      %mul3A_104 = arith.constant 2097152 : i32
      %mul3A_105 = arith.muli %add3A_103, %mul3A_104 : i32
      %add3A_106 = arith.constant 0 : i32
      %add3A_107 = arith.addi %mul3A_105, %add3A_106 : i32
      %mul3A_108 = arith.constant 1024 : i32
      %mul3A_109 = arith.muli %add3A_83, %mul3A_108 : i32
      %add3A_110 = arith.addi %add3A_107, %mul3A_109 : i32
      %dma_start3A_111 = arith.constant 0 : i32
      %dma_start3A_112 = tpu.memref_slice %arg8[%dma_start3A_111] : memref<32768xf32, #tpu.memory_space<vmem>> -> memref<2048xf32, #tpu.memory_space<vmem>>
      %dma_start3A_113 = tpu.memref_slice %arg5[%add3A_110] : memref<33554432xf32, #tpu.memory_space<hbm>> -> memref<2048xf32, #tpu.memory_space<hbm>>
      %dma_start3A_114 = tpu.memref_slice %arg5[%add3A_110] : memref<33554432xf32, #tpu.memory_space<hbm>> -> memref<2048xf32, #tpu.memory_space<hbm>>
      %dma_start3A_115 = arith.constant 0 : i32
      %dma_start3A_116 = tpu.memref_slice %arg8[%dma_start3A_115] : memref<32768xf32, #tpu.memory_space<vmem>> -> memref<2048xf32, #tpu.memory_space<vmem>>
      tpu.enqueue_dma source(%dma_start3A_116 : memref<2048xf32, #tpu.memory_space<vmem>>) target(%dma_start3A_114 : memref<2048xf32, #tpu.memory_space<hbm>>) target_semaphore(%arg14 : memref<!tpu.dma_semaphore, #tpu.memory_space<semaphore_mem>>)
      %mul3A_117 = arith.constant 8 : i32
      %mul3A_118 = arith.muli %select_n3A, %mul3A_117 : i32
      %add3A_119 = arith.constant 0 : i32
      %add3A_120 = arith.addi %mul3A_118, %add3A_119 : i32
      %mul3A_121 = arith.constant 2097152 : i32
      %mul3A_122 = arith.muli %add3A_120, %mul3A_121 : i32
      %add3A_123 = arith.constant 1048576 : i32
      %add3A_124 = arith.addi %mul3A_122, %add3A_123 : i32
      %mul3A_125 = arith.constant 1024 : i32
      %mul3A_126 = arith.muli %add3A_83, %mul3A_125 : i32
      %add3A_127 = arith.addi %add3A_124, %mul3A_126 : i32
      %dma_start3A_128 = arith.constant 2048 : i32
      %dma_start3A_129 = tpu.memref_slice %arg8[%dma_start3A_128] : memref<32768xf32, #tpu.memory_space<vmem>> -> memref<2048xf32, #tpu.memory_space<vmem>>
      %dma_start3A_130 = tpu.memref_slice %arg5[%add3A_127] : memref<33554432xf32, #tpu.memory_space<hbm>> -> memref<2048xf32, #tpu.memory_space<hbm>>
      %dma_start3A_131 = tpu.memref_slice %arg5[%add3A_127] : memref<33554432xf32, #tpu.memory_space<hbm>> -> memref<2048xf32, #tpu.memory_space<hbm>>
      %dma_start3A_132 = arith.constant 2048 : i32
      %dma_start3A_133 = tpu.memref_slice %arg8[%dma_start3A_132] : memref<32768xf32, #tpu.memory_space<vmem>> -> memref<2048xf32, #tpu.memory_space<vmem>>
      tpu.enqueue_dma source(%dma_start3A_133 : memref<2048xf32, #tpu.memory_space<vmem>>) target(%dma_start3A_131 : memref<2048xf32, #tpu.memory_space<hbm>>) target_semaphore(%arg14 : memref<!tpu.dma_semaphore, #tpu.memory_space<semaphore_mem>>)
      %mul3A_134 = arith.constant 8 : i32
      %mul3A_135 = arith.muli %select_n3A, %mul3A_134 : i32
      %add3A_136 = arith.constant 1 : i32
      %add3A_137 = arith.addi %mul3A_135, %add3A_136 : i32
      %mul3A_138 = arith.constant 2097152 : i32
      %mul3A_139 = arith.muli %add3A_137, %mul3A_138 : i32
      %add3A_140 = arith.constant 0 : i32
      %add3A_141 = arith.addi %mul3A_139, %add3A_140 : i32
      %mul3A_142 = arith.constant 1024 : i32
      %mul3A_143 = arith.muli %add3A_83, %mul3A_142 : i32
      %add3A_144 = arith.addi %add3A_141, %mul3A_143 : i32
      %dma_start3A_145 = arith.constant 4096 : i32
      %dma_start3A_146 = tpu.memref_slice %arg8[%dma_start3A_145] : memref<32768xf32, #tpu.memory_space<vmem>> -> memref<2048xf32, #tpu.memory_space<vmem>>
      %dma_start3A_147 = tpu.memref_slice %arg5[%add3A_144] : memref<33554432xf32, #tpu.memory_space<hbm>> -> memref<2048xf32, #tpu.memory_space<hbm>>
      %dma_start3A_148 = tpu.memref_slice %arg5[%add3A_144] : memref<33554432xf32, #tpu.memory_space<hbm>> -> memref<2048xf32, #tpu.memory_space<hbm>>
      %dma_start3A_149 = arith.constant 4096 : i32
      %dma_start3A_150 = tpu.memref_slice %arg8[%dma_start3A_149] : memref<32768xf32, #tpu.memory_space<vmem>> -> memref<2048xf32, #tpu.memory_space<vmem>>
      tpu.enqueue_dma source(%dma_start3A_150 : memref<2048xf32, #tpu.memory_space<vmem>>) target(%dma_start3A_148 : memref<2048xf32, #tpu.memory_space<hbm>>) target_semaphore(%arg14 : memref<!tpu.dma_semaphore, #tpu.memory_space<semaphore_mem>>)
      %mul3A_151 = arith.constant 8 : i32
      %mul3A_152 = arith.muli %select_n3A, %mul3A_151 : i32
      %add3A_153 = arith.constant 1 : i32
      %add3A_154 = arith.addi %mul3A_152, %add3A_153 : i32
      %mul3A_155 = arith.constant 2097152 : i32
      %mul3A_156 = arith.muli %add3A_154, %mul3A_155 : i32
      %add3A_157 = arith.constant 1048576 : i32
      %add3A_158 = arith.addi %mul3A_156, %add3A_157 : i32
      %mul3A_159 = arith.constant 1024 : i32
      %mul3A_160 = arith.muli %add3A_83, %mul3A_159 : i32
      %add3A_161 = arith.addi %add3A_158, %mul3A_160 : i32
      %dma_start3A_162 = arith.constant 6144 : i32
      %dma_start3A_163 = tpu.memref_slice %arg8[%dma_start3A_162] : memref<32768xf32, #tpu.memory_space<vmem>> -> memref<2048xf32, #tpu.memory_space<vmem>>
      %dma_start3A_164 = tpu.memref_slice %arg5[%add3A_161] : memref<33554432xf32, #tpu.memory_space<hbm>> -> memref<2048xf32, #tpu.memory_space<hbm>>
      %dma_start3A_165 = tpu.memref_slice %arg5[%add3A_161] : memref<33554432xf32, #tpu.memory_space<hbm>> -> memref<2048xf32, #tpu.memory_space<hbm>>
      %dma_start3A_166 = arith.constant 6144 : i32
      %dma_start3A_167 = tpu.memref_slice %arg8[%dma_start3A_166] : memref<32768xf32, #tpu.memory_space<vmem>> -> memref<2048xf32, #tpu.memory_space<vmem>>
      tpu.enqueue_dma source(%dma_start3A_167 : memref<2048xf32, #tpu.memory_space<vmem>>) target(%dma_start3A_165 : memref<2048xf32, #tpu.memory_space<hbm>>) target_semaphore(%arg14 : memref<!tpu.dma_semaphore, #tpu.memory_space<semaphore_mem>>)
      %mul3A_168 = arith.constant 8 : i32
      %mul3A_169 = arith.muli %select_n3A, %mul3A_168 : i32
      %add3A_170 = arith.constant 2 : i32
      %add3A_171 = arith.addi %mul3A_169, %add3A_170 : i32
      %mul3A_172 = arith.constant 2097152 : i32
      %mul3A_173 = arith.muli %add3A_171, %mul3A_172 : i32
      %add3A_174 = arith.constant 0 : i32
      %add3A_175 = arith.addi %mul3A_173, %add3A_174 : i32
      %mul3A_176 = arith.constant 1024 : i32
      %mul3A_177 = arith.muli %add3A_83, %mul3A_176 : i32
      %add3A_178 = arith.addi %add3A_175, %mul3A_177 : i32
      %dma_start3A_179 = arith.constant 8192 : i32
      %dma_start3A_180 = tpu.memref_slice %arg8[%dma_start3A_179] : memref<32768xf32, #tpu.memory_space<vmem>> -> memref<2048xf32, #tpu.memory_space<vmem>>
      %dma_start3A_181 = tpu.memref_slice %arg5[%add3A_178] : memref<33554432xf32, #tpu.memory_space<hbm>> -> memref<2048xf32, #tpu.memory_space<hbm>>
      %dma_start3A_182 = tpu.memref_slice %arg5[%add3A_178] : memref<33554432xf32, #tpu.memory_space<hbm>> -> memref<2048xf32, #tpu.memory_space<hbm>>
      %dma_start3A_183 = arith.constant 8192 : i32
      %dma_start3A_184 = tpu.memref_slice %arg8[%dma_start3A_183] : memref<32768xf32, #tpu.memory_space<vmem>> -> memref<2048xf32, #tpu.memory_space<vmem>>
      tpu.enqueue_dma source(%dma_start3A_184 : memref<2048xf32, #tpu.memory_space<vmem>>) target(%dma_start3A_182 : memref<2048xf32, #tpu.memory_space<hbm>>) target_semaphore(%arg14 : memref<!tpu.dma_semaphore, #tpu.memory_space<semaphore_mem>>)
      %mul3A_185 = arith.constant 8 : i32
      %mul3A_186 = arith.muli %select_n3A, %mul3A_185 : i32
      %add3A_187 = arith.constant 2 : i32
      %add3A_188 = arith.addi %mul3A_186, %add3A_187 : i32
      %mul3A_189 = arith.constant 2097152 : i32
      %mul3A_190 = arith.muli %add3A_188, %mul3A_189 : i32
      %add3A_191 = arith.constant 1048576 : i32
      %add3A_192 = arith.addi %mul3A_190, %add3A_191 : i32
      %mul3A_193 = arith.constant 1024 : i32
      %mul3A_194 = arith.muli %add3A_83, %mul3A_193 : i32
      %add3A_195 = arith.addi %add3A_192, %mul3A_194 : i32
      %dma_start3A_196 = arith.constant 10240 : i32
      %dma_start3A_197 = tpu.memref_slice %arg8[%dma_start3A_196] : memref<32768xf32, #tpu.memory_space<vmem>> -> memref<2048xf32, #tpu.memory_space<vmem>>
      %dma_start3A_198 = tpu.memref_slice %arg5[%add3A_195] : memref<33554432xf32, #tpu.memory_space<hbm>> -> memref<2048xf32, #tpu.memory_space<hbm>>
      %dma_start3A_199 = tpu.memref_slice %arg5[%add3A_195] : memref<33554432xf32, #tpu.memory_space<hbm>> -> memref<2048xf32, #tpu.memory_space<hbm>>
      %dma_start3A_200 = arith.constant 10240 : i32
      %dma_start3A_201 = tpu.memref_slice %arg8[%dma_start3A_200] : memref<32768xf32, #tpu.memory_space<vmem>> -> memref<2048xf32, #tpu.memory_space<vmem>>
      tpu.enqueue_dma source(%dma_start3A_201 : memref<2048xf32, #tpu.memory_space<vmem>>) target(%dma_start3A_199 : memref<2048xf32, #tpu.memory_space<hbm>>) target_semaphore(%arg14 : memref<!tpu.dma_semaphore, #tpu.memory_space<semaphore_mem>>)
      %mul3A_202 = arith.constant 8 : i32
      %mul3A_203 = arith.muli %select_n3A, %mul3A_202 : i32
      %add3A_204 = arith.constant 3 : i32
      %add3A_205 = arith.addi %mul3A_203, %add3A_204 : i32
      %mul3A_206 = arith.constant 2097152 : i32
      %mul3A_207 = arith.muli %add3A_205, %mul3A_206 : i32
      %add3A_208 = arith.constant 0 : i32
      %add3A_209 = arith.addi %mul3A_207, %add3A_208 : i32
      %mul3A_210 = arith.constant 1024 : i32
      %mul3A_211 = arith.muli %add3A_83, %mul3A_210 : i32
      %add3A_212 = arith.addi %add3A_209, %mul3A_211 : i32
      %dma_start3A_213 = arith.constant 12288 : i32
      %dma_start3A_214 = tpu.memref_slice %arg8[%dma_start3A_213] : memref<32768xf32, #tpu.memory_space<vmem>> -> memref<2048xf32, #tpu.memory_space<vmem>>
      %dma_start3A_215 = tpu.memref_slice %arg5[%add3A_212] : memref<33554432xf32, #tpu.memory_space<hbm>> -> memref<2048xf32, #tpu.memory_space<hbm>>
      %dma_start3A_216 = tpu.memref_slice %arg5[%add3A_212] : memref<33554432xf32, #tpu.memory_space<hbm>> -> memref<2048xf32, #tpu.memory_space<hbm>>
      %dma_start3A_217 = arith.constant 12288 : i32
      %dma_start3A_218 = tpu.memref_slice %arg8[%dma_start3A_217] : memref<32768xf32, #tpu.memory_space<vmem>> -> memref<2048xf32, #tpu.memory_space<vmem>>
      tpu.enqueue_dma source(%dma_start3A_218 : memref<2048xf32, #tpu.memory_space<vmem>>) target(%dma_start3A_216 : memref<2048xf32, #tpu.memory_space<hbm>>) target_semaphore(%arg14 : memref<!tpu.dma_semaphore, #tpu.memory_space<semaphore_mem>>)
      %mul3A_219 = arith.constant 8 : i32
      %mul3A_220 = arith.muli %select_n3A, %mul3A_219 : i32
      %add3A_221 = arith.constant 3 : i32
      %add3A_222 = arith.addi %mul3A_220, %add3A_221 : i32
      %mul3A_223 = arith.constant 2097152 : i32
      %mul3A_224 = arith.muli %add3A_222, %mul3A_223 : i32
      %add3A_225 = arith.constant 1048576 : i32
      %add3A_226 = arith.addi %mul3A_224, %add3A_225 : i32
      %mul3A_227 = arith.constant 1024 : i32
      %mul3A_228 = arith.muli %add3A_83, %mul3A_227 : i32
      %add3A_229 = arith.addi %add3A_226, %mul3A_228 : i32
      %dma_start3A_230 = arith.constant 14336 : i32
      %dma_start3A_231 = tpu.memref_slice %arg8[%dma_start3A_230] : memref<32768xf32, #tpu.memory_space<vmem>> -> memref<2048xf32, #tpu.memory_space<vmem>>
      %dma_start3A_232 = tpu.memref_slice %arg5[%add3A_229] : memref<33554432xf32, #tpu.memory_space<hbm>> -> memref<2048xf32, #tpu.memory_space<hbm>>
      %dma_start3A_233 = tpu.memref_slice %arg5[%add3A_229] : memref<33554432xf32, #tpu.memory_space<hbm>> -> memref<2048xf32, #tpu.memory_space<hbm>>
      %dma_start3A_234 = arith.constant 14336 : i32
      %dma_start3A_235 = tpu.memref_slice %arg8[%dma_start3A_234] : memref<32768xf32, #tpu.memory_space<vmem>> -> memref<2048xf32, #tpu.memory_space<vmem>>
      tpu.enqueue_dma source(%dma_start3A_235 : memref<2048xf32, #tpu.memory_space<vmem>>) target(%dma_start3A_233 : memref<2048xf32, #tpu.memory_space<hbm>>) target_semaphore(%arg14 : memref<!tpu.dma_semaphore, #tpu.memory_space<semaphore_mem>>)
      %mul3A_236 = arith.constant 8 : i32
      %mul3A_237 = arith.muli %select_n3A, %mul3A_236 : i32
      %add3A_238 = arith.constant 4 : i32
      %add3A_239 = arith.addi %mul3A_237, %add3A_238 : i32
      %mul3A_240 = arith.constant 2097152 : i32
      %mul3A_241 = arith.muli %add3A_239, %mul3A_240 : i32
      %add3A_242 = arith.constant 0 : i32
      %add3A_243 = arith.addi %mul3A_241, %add3A_242 : i32
      %mul3A_244 = arith.constant 1024 : i32
      %mul3A_245 = arith.muli %add3A_83, %mul3A_244 : i32
      %add3A_246 = arith.addi %add3A_243, %mul3A_245 : i32
      %dma_start3A_247 = arith.constant 16384 : i32
      %dma_start3A_248 = tpu.memref_slice %arg8[%dma_start3A_247] : memref<32768xf32, #tpu.memory_space<vmem>> -> memref<2048xf32, #tpu.memory_space<vmem>>
      %dma_start3A_249 = tpu.memref_slice %arg5[%add3A_246] : memref<33554432xf32, #tpu.memory_space<hbm>> -> memref<2048xf32, #tpu.memory_space<hbm>>
      %dma_start3A_250 = tpu.memref_slice %arg5[%add3A_246] : memref<33554432xf32, #tpu.memory_space<hbm>> -> memref<2048xf32, #tpu.memory_space<hbm>>
      %dma_start3A_251 = arith.constant 16384 : i32
      %dma_start3A_252 = tpu.memref_slice %arg8[%dma_start3A_251] : memref<32768xf32, #tpu.memory_space<vmem>> -> memref<2048xf32, #tpu.memory_space<vmem>>
      tpu.enqueue_dma source(%dma_start3A_252 : memref<2048xf32, #tpu.memory_space<vmem>>) target(%dma_start3A_250 : memref<2048xf32, #tpu.memory_space<hbm>>) target_semaphore(%arg14 : memref<!tpu.dma_semaphore, #tpu.memory_space<semaphore_mem>>)
      %mul3A_253 = arith.constant 8 : i32
      %mul3A_254 = arith.muli %select_n3A, %mul3A_253 : i32
      %add3A_255 = arith.constant 4 : i32
      %add3A_256 = arith.addi %mul3A_254, %add3A_255 : i32
      %mul3A_257 = arith.constant 2097152 : i32
      %mul3A_258 = arith.muli %add3A_256, %mul3A_257 : i32
      %add3A_259 = arith.constant 1048576 : i32
      %add3A_260 = arith.addi %mul3A_258, %add3A_259 : i32
      %mul3A_261 = arith.constant 1024 : i32
      %mul3A_262 = arith.muli %add3A_83, %mul3A_261 : i32
      %add3A_263 = arith.addi %add3A_260, %mul3A_262 : i32
      %dma_start3A_264 = arith.constant 18432 : i32
      %dma_start3A_265 = tpu.memref_slice %arg8[%dma_start3A_264] : memref<32768xf32, #tpu.memory_space<vmem>> -> memref<2048xf32, #tpu.memory_space<vmem>>
      %dma_start3A_266 = tpu.memref_slice %arg5[%add3A_263] : memref<33554432xf32, #tpu.memory_space<hbm>> -> memref<2048xf32, #tpu.memory_space<hbm>>
      %dma_start3A_267 = tpu.memref_slice %arg5[%add3A_263] : memref<33554432xf32, #tpu.memory_space<hbm>> -> memref<2048xf32, #tpu.memory_space<hbm>>
      %dma_start3A_268 = arith.constant 18432 : i32
      %dma_start3A_269 = tpu.memref_slice %arg8[%dma_start3A_268] : memref<32768xf32, #tpu.memory_space<vmem>> -> memref<2048xf32, #tpu.memory_space<vmem>>
      tpu.enqueue_dma source(%dma_start3A_269 : memref<2048xf32, #tpu.memory_space<vmem>>) target(%dma_start3A_267 : memref<2048xf32, #tpu.memory_space<hbm>>) target_semaphore(%arg14 : memref<!tpu.dma_semaphore, #tpu.memory_space<semaphore_mem>>)
      %mul3A_270 = arith.constant 8 : i32
      %mul3A_271 = arith.muli %select_n3A, %mul3A_270 : i32
      %add3A_272 = arith.constant 5 : i32
      %add3A_273 = arith.addi %mul3A_271, %add3A_272 : i32
      %mul3A_274 = arith.constant 2097152 : i32
      %mul3A_275 = arith.muli %add3A_273, %mul3A_274 : i32
      %add3A_276 = arith.constant 0 : i32
      %add3A_277 = arith.addi %mul3A_275, %add3A_276 : i32
      %mul3A_278 = arith.constant 1024 : i32
      %mul3A_279 = arith.muli %add3A_83, %mul3A_278 : i32
      %add3A_280 = arith.addi %add3A_277, %mul3A_279 : i32
      %dma_start3A_281 = arith.constant 20480 : i32
      %dma_start3A_282 = tpu.memref_slice %arg8[%dma_start3A_281] : memref<32768xf32, #tpu.memory_space<vmem>> -> memref<2048xf32, #tpu.memory_space<vmem>>
      %dma_start3A_283 = tpu.memref_slice %arg5[%add3A_280] : memref<33554432xf32, #tpu.memory_space<hbm>> -> memref<2048xf32, #tpu.memory_space<hbm>>
      %dma_start3A_284 = tpu.memref_slice %arg5[%add3A_280] : memref<33554432xf32, #tpu.memory_space<hbm>> -> memref<2048xf32, #tpu.memory_space<hbm>>
      %dma_start3A_285 = arith.constant 20480 : i32
      %dma_start3A_286 = tpu.memref_slice %arg8[%dma_start3A_285] : memref<32768xf32, #tpu.memory_space<vmem>> -> memref<2048xf32, #tpu.memory_space<vmem>>
      tpu.enqueue_dma source(%dma_start3A_286 : memref<2048xf32, #tpu.memory_space<vmem>>) target(%dma_start3A_284 : memref<2048xf32, #tpu.memory_space<hbm>>) target_semaphore(%arg14 : memref<!tpu.dma_semaphore, #tpu.memory_space<semaphore_mem>>)
      %mul3A_287 = arith.constant 8 : i32
      %mul3A_288 = arith.muli %select_n3A, %mul3A_287 : i32
      %add3A_289 = arith.constant 5 : i32
      %add3A_290 = arith.addi %mul3A_288, %add3A_289 : i32
      %mul3A_291 = arith.constant 2097152 : i32
      %mul3A_292 = arith.muli %add3A_290, %mul3A_291 : i32
      %add3A_293 = arith.constant 1048576 : i32
      %add3A_294 = arith.addi %mul3A_292, %add3A_293 : i32
      %mul3A_295 = arith.constant 1024 : i32
      %mul3A_296 = arith.muli %add3A_83, %mul3A_295 : i32
      %add3A_297 = arith.addi %add3A_294, %mul3A_296 : i32
      %dma_start3A_298 = arith.constant 22528 : i32
      %dma_start3A_299 = tpu.memref_slice %arg8[%dma_start3A_298] : memref<32768xf32, #tpu.memory_space<vmem>> -> memref<2048xf32, #tpu.memory_space<vmem>>
      %dma_start3A_300 = tpu.memref_slice %arg5[%add3A_297] : memref<33554432xf32, #tpu.memory_space<hbm>> -> memref<2048xf32, #tpu.memory_space<hbm>>
      %dma_start3A_301 = tpu.memref_slice %arg5[%add3A_297] : memref<33554432xf32, #tpu.memory_space<hbm>> -> memref<2048xf32, #tpu.memory_space<hbm>>
      %dma_start3A_302 = arith.constant 22528 : i32
      %dma_start3A_303 = tpu.memref_slice %arg8[%dma_start3A_302] : memref<32768xf32, #tpu.memory_space<vmem>> -> memref<2048xf32, #tpu.memory_space<vmem>>
      tpu.enqueue_dma source(%dma_start3A_303 : memref<2048xf32, #tpu.memory_space<vmem>>) target(%dma_start3A_301 : memref<2048xf32, #tpu.memory_space<hbm>>) target_semaphore(%arg14 : memref<!tpu.dma_semaphore, #tpu.memory_space<semaphore_mem>>)
      %mul3A_304 = arith.constant 8 : i32
      %mul3A_305 = arith.muli %select_n3A, %mul3A_304 : i32
      %add3A_306 = arith.constant 6 : i32
      %add3A_307 = arith.addi %mul3A_305, %add3A_306 : i32
      %mul3A_308 = arith.constant 2097152 : i32
      %mul3A_309 = arith.muli %add3A_307, %mul3A_308 : i32
      %add3A_310 = arith.constant 0 : i32
      %add3A_311 = arith.addi %mul3A_309, %add3A_310 : i32
      %mul3A_312 = arith.constant 1024 : i32
      %mul3A_313 = arith.muli %add3A_83, %mul3A_312 : i32
      %add3A_314 = arith.addi %add3A_311, %mul3A_313 : i32
      %dma_start3A_315 = arith.constant 24576 : i32
      %dma_start3A_316 = tpu.memref_slice %arg8[%dma_start3A_315] : memref<32768xf32, #tpu.memory_space<vmem>> -> memref<2048xf32, #tpu.memory_space<vmem>>
      %dma_start3A_317 = tpu.memref_slice %arg5[%add3A_314] : memref<33554432xf32, #tpu.memory_space<hbm>> -> memref<2048xf32, #tpu.memory_space<hbm>>
      %dma_start3A_318 = tpu.memref_slice %arg5[%add3A_314] : memref<33554432xf32, #tpu.memory_space<hbm>> -> memref<2048xf32, #tpu.memory_space<hbm>>
      %dma_start3A_319 = arith.constant 24576 : i32
      %dma_start3A_320 = tpu.memref_slice %arg8[%dma_start3A_319] : memref<32768xf32, #tpu.memory_space<vmem>> -> memref<2048xf32, #tpu.memory_space<vmem>>
      tpu.enqueue_dma source(%dma_start3A_320 : memref<2048xf32, #tpu.memory_space<vmem>>) target(%dma_start3A_318 : memref<2048xf32, #tpu.memory_space<hbm>>) target_semaphore(%arg14 : memref<!tpu.dma_semaphore, #tpu.memory_space<semaphore_mem>>)
      %mul3A_321 = arith.constant 8 : i32
      %mul3A_322 = arith.muli %select_n3A, %mul3A_321 : i32
      %add3A_323 = arith.constant 6 : i32
      %add3A_324 = arith.addi %mul3A_322, %add3A_323 : i32
      %mul3A_325 = arith.constant 2097152 : i32
      %mul3A_326 = arith.muli %add3A_324, %mul3A_325 : i32
      %add3A_327 = arith.constant 1048576 : i32
      %add3A_328 = arith.addi %mul3A_326, %add3A_327 : i32
      %mul3A_329 = arith.constant 1024 : i32
      %mul3A_330 = arith.muli %add3A_83, %mul3A_329 : i32
      %add3A_331 = arith.addi %add3A_328, %mul3A_330 : i32
      %dma_start3A_332 = arith.constant 26624 : i32
      %dma_start3A_333 = tpu.memref_slice %arg8[%dma_start3A_332] : memref<32768xf32, #tpu.memory_space<vmem>> -> memref<2048xf32, #tpu.memory_space<vmem>>
      %dma_start3A_334 = tpu.memref_slice %arg5[%add3A_331] : memref<33554432xf32, #tpu.memory_space<hbm>> -> memref<2048xf32, #tpu.memory_space<hbm>>
      %dma_start3A_335 = tpu.memref_slice %arg5[%add3A_331] : memref<33554432xf32, #tpu.memory_space<hbm>> -> memref<2048xf32, #tpu.memory_space<hbm>>
      %dma_start3A_336 = arith.constant 26624 : i32
      %dma_start3A_337 = tpu.memref_slice %arg8[%dma_start3A_336] : memref<32768xf32, #tpu.memory_space<vmem>> -> memref<2048xf32, #tpu.memory_space<vmem>>
      tpu.enqueue_dma source(%dma_start3A_337 : memref<2048xf32, #tpu.memory_space<vmem>>) target(%dma_start3A_335 : memref<2048xf32, #tpu.memory_space<hbm>>) target_semaphore(%arg14 : memref<!tpu.dma_semaphore, #tpu.memory_space<semaphore_mem>>)
      %mul3A_338 = arith.constant 8 : i32
      %mul3A_339 = arith.muli %select_n3A, %mul3A_338 : i32
      %add3A_340 = arith.constant 7 : i32
      %add3A_341 = arith.addi %mul3A_339, %add3A_340 : i32
      %mul3A_342 = arith.constant 2097152 : i32
      %mul3A_343 = arith.muli %add3A_341, %mul3A_342 : i32
      %add3A_344 = arith.constant 0 : i32
      %add3A_345 = arith.addi %mul3A_343, %add3A_344 : i32
      %mul3A_346 = arith.constant 1024 : i32
      %mul3A_347 = arith.muli %add3A_83, %mul3A_346 : i32
      %add3A_348 = arith.addi %add3A_345, %mul3A_347 : i32
      %dma_start3A_349 = arith.constant 28672 : i32
      %dma_start3A_350 = tpu.memref_slice %arg8[%dma_start3A_349] : memref<32768xf32, #tpu.memory_space<vmem>> -> memref<2048xf32, #tpu.memory_space<vmem>>
      %dma_start3A_351 = tpu.memref_slice %arg5[%add3A_348] : memref<33554432xf32, #tpu.memory_space<hbm>> -> memref<2048xf32, #tpu.memory_space<hbm>>
      %dma_start3A_352 = tpu.memref_slice %arg5[%add3A_348] : memref<33554432xf32, #tpu.memory_space<hbm>> -> memref<2048xf32, #tpu.memory_space<hbm>>
      %dma_start3A_353 = arith.constant 28672 : i32
      %dma_start3A_354 = tpu.memref_slice %arg8[%dma_start3A_353] : memref<32768xf32, #tpu.memory_space<vmem>> -> memref<2048xf32, #tpu.memory_space<vmem>>
      tpu.enqueue_dma source(%dma_start3A_354 : memref<2048xf32, #tpu.memory_space<vmem>>) target(%dma_start3A_352 : memref<2048xf32, #tpu.memory_space<hbm>>) target_semaphore(%arg14 : memref<!tpu.dma_semaphore, #tpu.memory_space<semaphore_mem>>)
      %mul3A_355 = arith.constant 8 : i32
      %mul3A_356 = arith.muli %select_n3A, %mul3A_355 : i32
      %add3A_357 = arith.constant 7 : i32
      %add3A_358 = arith.addi %mul3A_356, %add3A_357 : i32
      %mul3A_359 = arith.constant 2097152 : i32
      %mul3A_360 = arith.muli %add3A_358, %mul3A_359 : i32
      %add3A_361 = arith.constant 1048576 : i32
      %add3A_362 = arith.addi %mul3A_360, %add3A_361 : i32
      %mul3A_363 = arith.constant 1024 : i32
      %mul3A_364 = arith.muli %add3A_83, %mul3A_363 : i32
      %add3A_365 = arith.addi %add3A_362, %mul3A_364 : i32
      %dma_start3A_366 = arith.constant 30720 : i32
      %dma_start3A_367 = tpu.memref_slice %arg8[%dma_start3A_366] : memref<32768xf32, #tpu.memory_space<vmem>> -> memref<2048xf32, #tpu.memory_space<vmem>>
      %dma_start3A_368 = tpu.memref_slice %arg5[%add3A_365] : memref<33554432xf32, #tpu.memory_space<hbm>> -> memref<2048xf32, #tpu.memory_space<hbm>>
      %dma_start3A_369 = tpu.memref_slice %arg5[%add3A_365] : memref<33554432xf32, #tpu.memory_space<hbm>> -> memref<2048xf32, #tpu.memory_space<hbm>>
      %dma_start3A_370 = arith.constant 30720 : i32
      %dma_start3A_371 = tpu.memref_slice %arg8[%dma_start3A_370] : memref<32768xf32, #tpu.memory_space<vmem>> -> memref<2048xf32, #tpu.memory_space<vmem>>
      tpu.enqueue_dma source(%dma_start3A_371 : memref<2048xf32, #tpu.memory_space<vmem>>) target(%dma_start3A_369 : memref<2048xf32, #tpu.memory_space<hbm>>) target_semaphore(%arg14 : memref<!tpu.dma_semaphore, #tpu.memory_space<semaphore_mem>>)
      %mul3A_372 = arith.constant 2 : i32
      %mul3A_373 = arith.muli %add3A_73, %mul3A_372 : i32
      %add3A_374 = arith.constant 1 : i32
      %add3A_375 = arith.addi %mul3A_373, %add3A_374 : i32
      %mul3A_376 = arith.constant 2048 : i32
      %mul3A_377 = arith.muli %add3A_375, %mul3A_376 : i32
      %add3A_378 = arith.addi %mul3A_8, %mul3A_377 : i32
      %mul3A_379 = arith.constant 2 : i32
      %mul3A_380 = arith.muli %add3A_375, %mul3A_379 : i32
      %add3A_381 = arith.addi %mul3A_40, %mul3A_380 : i32
      %gt3A_382 = arith.constant 0 : i32
      %gt3A_383 = arith.cmpi sgt, %add3A_73, %gt3A_382 : i32
      %convert_element_type3A_384 = arith.extui %gt3A_383 : i1 to i32
      %cond3A_385 = arith.constant 0 : i32
      %cond3A_386 = arith.cmpi ne, %convert_element_type3A_384, %cond3A_385 : i32
      scf.if %cond3A_386 {
        %dma_wait3A_673 = arith.constant 0 : i32
        %dma_wait3A_674 = tpu.memref_slice %arg5[%dma_wait3A_673] : memref<33554432xf32, #tpu.memory_space<hbm>> -> memref<32768xf32, #tpu.memory_space<hbm>>
        %dma_wait3A_675 = arith.constant 0 : i32
        %dma_wait3A_676 = tpu.memref_slice %arg5[%dma_wait3A_675] : memref<33554432xf32, #tpu.memory_space<hbm>> -> memref<32768xf32, #tpu.memory_space<hbm>>
        tpu.wait_dma2 semaphore(%arg15 : memref<!tpu.dma_semaphore, #tpu.memory_space<semaphore_mem>>) src(%arg9 : memref<32768xf32, #tpu.memory_space<vmem>>) dst(%dma_wait3A_676 : memref<32768xf32, #tpu.memory_space<hbm>>)
      } else {
      }
      %dma_wait3A_387 = arith.constant 0 : i32
      %dma_wait3A_388 = tpu.memref_slice %arg2[%dma_wait3A_387] : memref<2097152xf32, #tpu.memory_space<hbm>> -> memref<2048xf32, #tpu.memory_space<hbm>>
      %dma_wait3A_389 = arith.constant 0 : i32
      %dma_wait3A_390 = tpu.memref_slice %arg2[%dma_wait3A_389] : memref<2097152xf32, #tpu.memory_space<hbm>> -> memref<2048xf32, #tpu.memory_space<hbm>>
      tpu.wait_dma2 semaphore(%arg13 : memref<!tpu.dma_semaphore, #tpu.memory_space<semaphore_mem>>) src(%dma_wait3A_390 : memref<2048xf32, #tpu.memory_space<hbm>>) dst(%arg7 : memref<2048xf32, #tpu.memory_space<vmem>>)
      %parallel_loop3A_391 = arith.constant 0 : i32
      %parallel_loop3A_392 = arith.constant 128 : i32
      %parallel_loop3A_393 = arith.constant 1 : i32
      scf.for %parallel_loop3A_673 = %parallel_loop3A_391 to %parallel_loop3A_392 step %parallel_loop3A_393  : i32 {
        %parallel_loop3A_674 = arith.constant 16 : i32
        %parallel_loop3A_675 = arith.muli %parallel_loop3A_673, %parallel_loop3A_674 : i32
        %parallel_loop3A_676 = arith.index_cast %parallel_loop3A_675 : i32 to index
        %parallel_loop3A_677 = tpu.vector_load %arg7[%parallel_loop3A_676] {strides = array<i32>} : memref<2048xf32, #tpu.memory_space<vmem>>, vector<16xf32>,
        %parallel_loop3A_678 = arith.constant 16 : i32
        %parallel_loop3A_679 = arith.muli %parallel_loop3A_673, %parallel_loop3A_678 : i32
        %parallel_loop3A_680 = arith.index_cast %parallel_loop3A_679 : i32 to index
        %parallel_loop3A_681 = tpu.vector_load %arg11[%parallel_loop3A_680] {strides = array<i32>} : memref<2048xi32, #tpu.memory_space<vmem>>, vector<16xi32>,
        %parallel_loop3A_682 = arith.constant 7 : i32
        %parallel_loop3A_683 = vector.broadcast %parallel_loop3A_682 : i32 to vector<16xi32>
        %parallel_loop3A_684 = arith.shrsi %parallel_loop3A_681, %parallel_loop3A_683 : vector<16xi32>
        %parallel_loop3A_685 = arith.constant 7 : i32
        %parallel_loop3A_686 = vector.broadcast %parallel_loop3A_685 : i32 to vector<16xi32>
        %parallel_loop3A_687 = arith.andi %parallel_loop3A_684, %parallel_loop3A_686 : vector<16xi32>
        %parallel_loop3A_688 = arith.constant 7 : i32
        %parallel_loop3A_689 = vector.broadcast %parallel_loop3A_688 : i32 to vector<16xi32>
        %parallel_loop3A_690 = arith.cmpi eq, %parallel_loop3A_687, %parallel_loop3A_689 : vector<16xi32>
        %parallel_loop3A_691 = arith.constant 1152 : i32
        %parallel_loop3A_692 = arith.constant 128 : i32
        %parallel_loop3A_693 = vector.broadcast %parallel_loop3A_691 : i32 to vector<16xi32>
        %parallel_loop3A_694 = vector.broadcast %parallel_loop3A_692 : i32 to vector<16xi32>
        %parallel_loop3A_695 = arith.select %parallel_loop3A_690, %parallel_loop3A_693, %parallel_loop3A_694 : vector<16xi1>, vector<16xi32>
        tpu.vector_store_idx %arg9[%parallel_loop3A_681], %broadcast_in_dim3A_41 : memref<32768xf32, #tpu.memory_space<vmem>>[vector<16xi32>], vector<16xf32>,
        %parallel_loop3A_696 = arith.addi %parallel_loop3A_681, %parallel_loop3A_695 : vector<16xi32>
        tpu.vector_store_idx %arg9[%parallel_loop3A_696], %broadcast_in_dim3A_41 : memref<32768xf32, #tpu.memory_space<vmem>>[vector<16xi32>], vector<16xf32>,
        %parallel_loop3A_697 = arith.constant -3.500000e+00 : f32
        %parallel_loop3A_698 = vector.broadcast %parallel_loop3A_697 : f32 to vector<16xf32>
        %parallel_loop3A_699 = arith.maximumf %parallel_loop3A_677, %parallel_loop3A_698 : vector<16xf32>
        %parallel_loop3A_700 = arith.constant 3.500000e+00 : f32
        %parallel_loop3A_701 = vector.broadcast %parallel_loop3A_700 : f32 to vector<16xf32>
        %parallel_loop3A_702 = arith.minimumf %parallel_loop3A_699, %parallel_loop3A_701 : vector<16xf32>
        %parallel_loop3A_703 = arith.constant -3.500000e+00 : f32
        %parallel_loop3A_704 = vector.broadcast %parallel_loop3A_703 : f32 to vector<16xf32>
        %parallel_loop3A_705 = arith.subf %parallel_loop3A_702, %parallel_loop3A_704 : vector<16xf32>
        %parallel_loop3A_706 = vector.broadcast %squeeze3A : f32 to vector<16xf32>
        %parallel_loop3A_707 = arith.mulf %parallel_loop3A_705, %parallel_loop3A_706 : vector<16xf32>
        %parallel_loop3A_708 = arith.fptosi %parallel_loop3A_707 : vector<16xf32> to vector<16xi32>
        %parallel_loop3A_709 = arith.constant 14 : i32
        %parallel_loop3A_710 = vector.broadcast %parallel_loop3A_709 : i32 to vector<16xi32>
        %parallel_loop3A_711 = arith.minsi %parallel_loop3A_708, %parallel_loop3A_710 : vector<16xi32>
        %parallel_loop3A_712 = arith.sitofp %parallel_loop3A_711 : vector<16xi32> to vector<16xf32>
        %parallel_loop3A_713 = arith.constant 0.466666669 : f32
        %parallel_loop3A_714 = vector.broadcast %parallel_loop3A_713 : f32 to vector<16xf32>
        %parallel_loop3A_715 = arith.mulf %parallel_loop3A_712, %parallel_loop3A_714 : vector<16xf32>
        %parallel_loop3A_716 = arith.constant -3.500000e+00 : f32
        %parallel_loop3A_717 = vector.broadcast %parallel_loop3A_716 : f32 to vector<16xf32>
        %parallel_loop3A_718 = arith.addf %parallel_loop3A_715, %parallel_loop3A_717 : vector<16xf32>
        %parallel_loop3A_719 = arith.subf %parallel_loop3A_702, %parallel_loop3A_718 : vector<16xf32>
        %parallel_loop3A_720 = vector.broadcast %squeeze3A_5 : f32 to vector<16xf32>
        %parallel_loop3A_721 = arith.mulf %parallel_loop3A_719, %parallel_loop3A_720 : vector<16xf32>
        %parallel_loop3A_722 = arith.constant 3 : i32
        %parallel_loop3A_723 = arith.shrsi %parallel_loop3A_673, %parallel_loop3A_722 : i32
        %parallel_loop3A_724 = arith.constant 7 : i32
        %parallel_loop3A_725 = arith.andi %parallel_loop3A_723, %parallel_loop3A_724 : i32
        %parallel_loop3A_726 = arith.constant 4096 : i32
        %parallel_loop3A_727 = arith.muli %parallel_loop3A_725, %parallel_loop3A_726 : i32
        %parallel_loop3A_728 = arith.constant 6 : i32
        %parallel_loop3A_729 = arith.shrsi %parallel_loop3A_673, %parallel_loop3A_728 : i32
        %parallel_loop3A_730 = arith.constant 1024 : i32
        %parallel_loop3A_731 = arith.muli %parallel_loop3A_729, %parallel_loop3A_730 : i32
        %parallel_loop3A_732 = arith.addi %parallel_loop3A_727, %parallel_loop3A_731 : i32
        %parallel_loop3A_733 = arith.constant 7 : i32
        %parallel_loop3A_734 = arith.andi %parallel_loop3A_673, %parallel_loop3A_733 : i32
        %parallel_loop3A_735 = arith.constant 16 : i32
        %parallel_loop3A_736 = arith.muli %parallel_loop3A_734, %parallel_loop3A_735 : i32
        %parallel_loop3A_737 = arith.addi %parallel_loop3A_732, %parallel_loop3A_736 : i32
        %parallel_loop3A_738 = vector.broadcast %parallel_loop3A_737 : i32 to vector<16xi32>
        %parallel_loop3A_739 = arith.addi %parallel_loop3A_738, %iota3A : vector<16xi32>
        %parallel_loop3A_740 = arith.constant 3 : i32
        %parallel_loop3A_741 = vector.broadcast %parallel_loop3A_740 : i32 to vector<16xi32>
        %parallel_loop3A_742 = arith.shrsi %parallel_loop3A_711, %parallel_loop3A_741 : vector<16xi32>
        %parallel_loop3A_743 = arith.constant 11 : i32
        %parallel_loop3A_744 = vector.broadcast %parallel_loop3A_743 : i32 to vector<16xi32>
        %parallel_loop3A_745 = arith.shli %parallel_loop3A_742, %parallel_loop3A_744 : vector<16xi32>
        %parallel_loop3A_746 = arith.addi %parallel_loop3A_739, %parallel_loop3A_745 : vector<16xi32>
        %parallel_loop3A_747 = arith.constant 7 : i32
        %parallel_loop3A_748 = vector.broadcast %parallel_loop3A_747 : i32 to vector<16xi32>
        %parallel_loop3A_749 = arith.andi %parallel_loop3A_711, %parallel_loop3A_748 : vector<16xi32>
        %parallel_loop3A_750 = arith.constant 7 : i32
        %parallel_loop3A_751 = vector.broadcast %parallel_loop3A_750 : i32 to vector<16xi32>
        %parallel_loop3A_752 = arith.shli %parallel_loop3A_749, %parallel_loop3A_751 : vector<16xi32>
        %parallel_loop3A_753 = arith.addi %parallel_loop3A_746, %parallel_loop3A_752 : vector<16xi32>
        %parallel_loop3A_754 = arith.constant 7 : i32
        %parallel_loop3A_755 = vector.broadcast %parallel_loop3A_754 : i32 to vector<16xi32>
        %parallel_loop3A_756 = arith.andi %parallel_loop3A_711, %parallel_loop3A_755 : vector<16xi32>
        %parallel_loop3A_757 = arith.constant 7 : i32
        %parallel_loop3A_758 = vector.broadcast %parallel_loop3A_757 : i32 to vector<16xi32>
        %parallel_loop3A_759 = arith.cmpi eq, %parallel_loop3A_756, %parallel_loop3A_758 : vector<16xi32>
        %parallel_loop3A_760 = arith.constant 1152 : i32
        %parallel_loop3A_761 = arith.constant 128 : i32
        %parallel_loop3A_762 = vector.broadcast %parallel_loop3A_760 : i32 to vector<16xi32>
        %parallel_loop3A_763 = vector.broadcast %parallel_loop3A_761 : i32 to vector<16xi32>
        %parallel_loop3A_764 = arith.select %parallel_loop3A_759, %parallel_loop3A_762, %parallel_loop3A_763 : vector<16xi1>, vector<16xi32>
        %parallel_loop3A_765 = arith.constant 1.000000e+00 : f32
        %parallel_loop3A_766 = vector.broadcast %parallel_loop3A_765 : f32 to vector<16xf32>
        %parallel_loop3A_767 = arith.subf %parallel_loop3A_766, %parallel_loop3A_721 : vector<16xf32>
        tpu.vector_store_idx %arg9[%parallel_loop3A_753], %parallel_loop3A_767 : memref<32768xf32, #tpu.memory_space<vmem>>[vector<16xi32>], vector<16xf32>,
        %parallel_loop3A_768 = arith.addi %parallel_loop3A_753, %parallel_loop3A_764 : vector<16xi32>
        tpu.vector_store_idx %arg9[%parallel_loop3A_768], %parallel_loop3A_721 : memref<32768xf32, #tpu.memory_space<vmem>>[vector<16xi32>], vector<16xf32>,
        %parallel_loop3A_769 = arith.constant 16 : i32
        %parallel_loop3A_770 = arith.muli %parallel_loop3A_673, %parallel_loop3A_769 : i32
        %parallel_loop3A_771 = arith.index_cast %parallel_loop3A_770 : i32 to index
        %parallel_loop3A_772 = tpu.vector_load %arg11[%parallel_loop3A_771] {strides = array<i32>} : memref<2048xi32, #tpu.memory_space<vmem>>, vector<16xi32>,
        tpu.vector_store %arg11[%parallel_loop3A_771], %parallel_loop3A_753 {strides = array<i32>} : memref<2048xi32, #tpu.memory_space<vmem>>, vector<16xi32>,
      } {sc.loop_unroll_factor = 4 : i64, sc.parallel_access}
      %add3A_394 = arith.constant 1 : i32
      %add3A_395 = arith.addi %add3A_73, %add3A_394 : i32
      %lt3A_396 = arith.constant 16 : i32
      %lt3A_397 = arith.cmpi slt, %add3A_395, %lt3A_396 : i32
      %convert_element_type3A_398 = arith.extui %lt3A_397 : i1 to i32
      %cond3A_399 = arith.constant 0 : i32
      %cond3A_400 = arith.cmpi ne, %convert_element_type3A_398, %cond3A_399 : i32
      scf.if %cond3A_400 {
        %add3A_673 = arith.constant 4096 : i32
        %add3A_674 = arith.addi %add3A_378, %add3A_673 : i32
        %dma_start3A_675 = tpu.memref_slice %arg2[%add3A_674] : memref<2097152xf32, #tpu.memory_space<hbm>> -> memref<2048xf32, #tpu.memory_space<hbm>>
        %dma_start3A_676 = tpu.memref_slice %arg2[%add3A_674] : memref<2097152xf32, #tpu.memory_space<hbm>> -> memref<2048xf32, #tpu.memory_space<hbm>>
        tpu.enqueue_dma source(%dma_start3A_676 : memref<2048xf32, #tpu.memory_space<hbm>>) target(%arg7 : memref<2048xf32, #tpu.memory_space<vmem>>) target_semaphore(%arg13 : memref<!tpu.dma_semaphore, #tpu.memory_space<semaphore_mem>>)
      } else {
      }
      %mul3A_401 = arith.constant 8 : i32
      %mul3A_402 = arith.muli %select_n3A, %mul3A_401 : i32
      %add3A_403 = arith.constant 0 : i32
      %add3A_404 = arith.addi %mul3A_402, %add3A_403 : i32
      %mul3A_405 = arith.constant 2097152 : i32
      %mul3A_406 = arith.muli %add3A_404, %mul3A_405 : i32
      %add3A_407 = arith.constant 0 : i32
      %add3A_408 = arith.addi %mul3A_406, %add3A_407 : i32
      %mul3A_409 = arith.constant 1024 : i32
      %mul3A_410 = arith.muli %add3A_381, %mul3A_409 : i32
      %add3A_411 = arith.addi %add3A_408, %mul3A_410 : i32
      %dma_start3A_412 = arith.constant 0 : i32
      %dma_start3A_413 = tpu.memref_slice %arg9[%dma_start3A_412] : memref<32768xf32, #tpu.memory_space<vmem>> -> memref<2048xf32, #tpu.memory_space<vmem>>
      %dma_start3A_414 = tpu.memref_slice %arg5[%add3A_411] : memref<33554432xf32, #tpu.memory_space<hbm>> -> memref<2048xf32, #tpu.memory_space<hbm>>
      %dma_start3A_415 = tpu.memref_slice %arg5[%add3A_411] : memref<33554432xf32, #tpu.memory_space<hbm>> -> memref<2048xf32, #tpu.memory_space<hbm>>
      %dma_start3A_416 = arith.constant 0 : i32
      %dma_start3A_417 = tpu.memref_slice %arg9[%dma_start3A_416] : memref<32768xf32, #tpu.memory_space<vmem>> -> memref<2048xf32, #tpu.memory_space<vmem>>
      tpu.enqueue_dma source(%dma_start3A_417 : memref<2048xf32, #tpu.memory_space<vmem>>) target(%dma_start3A_415 : memref<2048xf32, #tpu.memory_space<hbm>>) target_semaphore(%arg15 : memref<!tpu.dma_semaphore, #tpu.memory_space<semaphore_mem>>)
      %mul3A_418 = arith.constant 8 : i32
      %mul3A_419 = arith.muli %select_n3A, %mul3A_418 : i32
      %add3A_420 = arith.constant 0 : i32
      %add3A_421 = arith.addi %mul3A_419, %add3A_420 : i32
      %mul3A_422 = arith.constant 2097152 : i32
      %mul3A_423 = arith.muli %add3A_421, %mul3A_422 : i32
      %add3A_424 = arith.constant 1048576 : i32
      %add3A_425 = arith.addi %mul3A_423, %add3A_424 : i32
      %mul3A_426 = arith.constant 1024 : i32
      %mul3A_427 = arith.muli %add3A_381, %mul3A_426 : i32
      %add3A_428 = arith.addi %add3A_425, %mul3A_427 : i32
      %dma_start3A_429 = arith.constant 2048 : i32
      %dma_start3A_430 = tpu.memref_slice %arg9[%dma_start3A_429] : memref<32768xf32, #tpu.memory_space<vmem>> -> memref<2048xf32, #tpu.memory_space<vmem>>
      %dma_start3A_431 = tpu.memref_slice %arg5[%add3A_428] : memref<33554432xf32, #tpu.memory_space<hbm>> -> memref<2048xf32, #tpu.memory_space<hbm>>
      %dma_start3A_432 = tpu.memref_slice %arg5[%add3A_428] : memref<33554432xf32, #tpu.memory_space<hbm>> -> memref<2048xf32, #tpu.memory_space<hbm>>
      %dma_start3A_433 = arith.constant 2048 : i32
      %dma_start3A_434 = tpu.memref_slice %arg9[%dma_start3A_433] : memref<32768xf32, #tpu.memory_space<vmem>> -> memref<2048xf32, #tpu.memory_space<vmem>>
      tpu.enqueue_dma source(%dma_start3A_434 : memref<2048xf32, #tpu.memory_space<vmem>>) target(%dma_start3A_432 : memref<2048xf32, #tpu.memory_space<hbm>>) target_semaphore(%arg15 : memref<!tpu.dma_semaphore, #tpu.memory_space<semaphore_mem>>)
      %mul3A_435 = arith.constant 8 : i32
      %mul3A_436 = arith.muli %select_n3A, %mul3A_435 : i32
      %add3A_437 = arith.constant 1 : i32
      %add3A_438 = arith.addi %mul3A_436, %add3A_437 : i32
      %mul3A_439 = arith.constant 2097152 : i32
      %mul3A_440 = arith.muli %add3A_438, %mul3A_439 : i32
      %add3A_441 = arith.constant 0 : i32
      %add3A_442 = arith.addi %mul3A_440, %add3A_441 : i32
      %mul3A_443 = arith.constant 1024 : i32
      %mul3A_444 = arith.muli %add3A_381, %mul3A_443 : i32
      %add3A_445 = arith.addi %add3A_442, %mul3A_444 : i32
      %dma_start3A_446 = arith.constant 4096 : i32
      %dma_start3A_447 = tpu.memref_slice %arg9[%dma_start3A_446] : memref<32768xf32, #tpu.memory_space<vmem>> -> memref<2048xf32, #tpu.memory_space<vmem>>
      %dma_start3A_448 = tpu.memref_slice %arg5[%add3A_445] : memref<33554432xf32, #tpu.memory_space<hbm>> -> memref<2048xf32, #tpu.memory_space<hbm>>
      %dma_start3A_449 = tpu.memref_slice %arg5[%add3A_445] : memref<33554432xf32, #tpu.memory_space<hbm>> -> memref<2048xf32, #tpu.memory_space<hbm>>
      %dma_start3A_450 = arith.constant 4096 : i32
      %dma_start3A_451 = tpu.memref_slice %arg9[%dma_start3A_450] : memref<32768xf32, #tpu.memory_space<vmem>> -> memref<2048xf32, #tpu.memory_space<vmem>>
      tpu.enqueue_dma source(%dma_start3A_451 : memref<2048xf32, #tpu.memory_space<vmem>>) target(%dma_start3A_449 : memref<2048xf32, #tpu.memory_space<hbm>>) target_semaphore(%arg15 : memref<!tpu.dma_semaphore, #tpu.memory_space<semaphore_mem>>)
      %mul3A_452 = arith.constant 8 : i32
      %mul3A_453 = arith.muli %select_n3A, %mul3A_452 : i32
      %add3A_454 = arith.constant 1 : i32
      %add3A_455 = arith.addi %mul3A_453, %add3A_454 : i32
      %mul3A_456 = arith.constant 2097152 : i32
      %mul3A_457 = arith.muli %add3A_455, %mul3A_456 : i32
      %add3A_458 = arith.constant 1048576 : i32
      %add3A_459 = arith.addi %mul3A_457, %add3A_458 : i32
      %mul3A_460 = arith.constant 1024 : i32
      %mul3A_461 = arith.muli %add3A_381, %mul3A_460 : i32
      %add3A_462 = arith.addi %add3A_459, %mul3A_461 : i32
      %dma_start3A_463 = arith.constant 6144 : i32
      %dma_start3A_464 = tpu.memref_slice %arg9[%dma_start3A_463] : memref<32768xf32, #tpu.memory_space<vmem>> -> memref<2048xf32, #tpu.memory_space<vmem>>
      %dma_start3A_465 = tpu.memref_slice %arg5[%add3A_462] : memref<33554432xf32, #tpu.memory_space<hbm>> -> memref<2048xf32, #tpu.memory_space<hbm>>
      %dma_start3A_466 = tpu.memref_slice %arg5[%add3A_462] : memref<33554432xf32, #tpu.memory_space<hbm>> -> memref<2048xf32, #tpu.memory_space<hbm>>
      %dma_start3A_467 = arith.constant 6144 : i32
      %dma_start3A_468 = tpu.memref_slice %arg9[%dma_start3A_467] : memref<32768xf32, #tpu.memory_space<vmem>> -> memref<2048xf32, #tpu.memory_space<vmem>>
      tpu.enqueue_dma source(%dma_start3A_468 : memref<2048xf32, #tpu.memory_space<vmem>>) target(%dma_start3A_466 : memref<2048xf32, #tpu.memory_space<hbm>>) target_semaphore(%arg15 : memref<!tpu.dma_semaphore, #tpu.memory_space<semaphore_mem>>)
      %mul3A_469 = arith.constant 8 : i32
      %mul3A_470 = arith.muli %select_n3A, %mul3A_469 : i32
      %add3A_471 = arith.constant 2 : i32
      %add3A_472 = arith.addi %mul3A_470, %add3A_471 : i32
      %mul3A_473 = arith.constant 2097152 : i32
      %mul3A_474 = arith.muli %add3A_472, %mul3A_473 : i32
      %add3A_475 = arith.constant 0 : i32
      %add3A_476 = arith.addi %mul3A_474, %add3A_475 : i32
      %mul3A_477 = arith.constant 1024 : i32
      %mul3A_478 = arith.muli %add3A_381, %mul3A_477 : i32
      %add3A_479 = arith.addi %add3A_476, %mul3A_478 : i32
      %dma_start3A_480 = arith.constant 8192 : i32
      %dma_start3A_481 = tpu.memref_slice %arg9[%dma_start3A_480] : memref<32768xf32, #tpu.memory_space<vmem>> -> memref<2048xf32, #tpu.memory_space<vmem>>
      %dma_start3A_482 = tpu.memref_slice %arg5[%add3A_479] : memref<33554432xf32, #tpu.memory_space<hbm>> -> memref<2048xf32, #tpu.memory_space<hbm>>
      %dma_start3A_483 = tpu.memref_slice %arg5[%add3A_479] : memref<33554432xf32, #tpu.memory_space<hbm>> -> memref<2048xf32, #tpu.memory_space<hbm>>
      %dma_start3A_484 = arith.constant 8192 : i32
      %dma_start3A_485 = tpu.memref_slice %arg9[%dma_start3A_484] : memref<32768xf32, #tpu.memory_space<vmem>> -> memref<2048xf32, #tpu.memory_space<vmem>>
      tpu.enqueue_dma source(%dma_start3A_485 : memref<2048xf32, #tpu.memory_space<vmem>>) target(%dma_start3A_483 : memref<2048xf32, #tpu.memory_space<hbm>>) target_semaphore(%arg15 : memref<!tpu.dma_semaphore, #tpu.memory_space<semaphore_mem>>)
      %mul3A_486 = arith.constant 8 : i32
      %mul3A_487 = arith.muli %select_n3A, %mul3A_486 : i32
      %add3A_488 = arith.constant 2 : i32
      %add3A_489 = arith.addi %mul3A_487, %add3A_488 : i32
      %mul3A_490 = arith.constant 2097152 : i32
      %mul3A_491 = arith.muli %add3A_489, %mul3A_490 : i32
      %add3A_492 = arith.constant 1048576 : i32
      %add3A_493 = arith.addi %mul3A_491, %add3A_492 : i32
      %mul3A_494 = arith.constant 1024 : i32
      %mul3A_495 = arith.muli %add3A_381, %mul3A_494 : i32
      %add3A_496 = arith.addi %add3A_493, %mul3A_495 : i32
      %dma_start3A_497 = arith.constant 10240 : i32
      %dma_start3A_498 = tpu.memref_slice %arg9[%dma_start3A_497] : memref<32768xf32, #tpu.memory_space<vmem>> -> memref<2048xf32, #tpu.memory_space<vmem>>
      %dma_start3A_499 = tpu.memref_slice %arg5[%add3A_496] : memref<33554432xf32, #tpu.memory_space<hbm>> -> memref<2048xf32, #tpu.memory_space<hbm>>
      %dma_start3A_500 = tpu.memref_slice %arg5[%add3A_496] : memref<33554432xf32, #tpu.memory_space<hbm>> -> memref<2048xf32, #tpu.memory_space<hbm>>
      %dma_start3A_501 = arith.constant 10240 : i32
      %dma_start3A_502 = tpu.memref_slice %arg9[%dma_start3A_501] : memref<32768xf32, #tpu.memory_space<vmem>> -> memref<2048xf32, #tpu.memory_space<vmem>>
      tpu.enqueue_dma source(%dma_start3A_502 : memref<2048xf32, #tpu.memory_space<vmem>>) target(%dma_start3A_500 : memref<2048xf32, #tpu.memory_space<hbm>>) target_semaphore(%arg15 : memref<!tpu.dma_semaphore, #tpu.memory_space<semaphore_mem>>)
      %mul3A_503 = arith.constant 8 : i32
      %mul3A_504 = arith.muli %select_n3A, %mul3A_503 : i32
      %add3A_505 = arith.constant 3 : i32
      %add3A_506 = arith.addi %mul3A_504, %add3A_505 : i32
      %mul3A_507 = arith.constant 2097152 : i32
      %mul3A_508 = arith.muli %add3A_506, %mul3A_507 : i32
      %add3A_509 = arith.constant 0 : i32
      %add3A_510 = arith.addi %mul3A_508, %add3A_509 : i32
      %mul3A_511 = arith.constant 1024 : i32
      %mul3A_512 = arith.muli %add3A_381, %mul3A_511 : i32
      %add3A_513 = arith.addi %add3A_510, %mul3A_512 : i32
      %dma_start3A_514 = arith.constant 12288 : i32
      %dma_start3A_515 = tpu.memref_slice %arg9[%dma_start3A_514] : memref<32768xf32, #tpu.memory_space<vmem>> -> memref<2048xf32, #tpu.memory_space<vmem>>
      %dma_start3A_516 = tpu.memref_slice %arg5[%add3A_513] : memref<33554432xf32, #tpu.memory_space<hbm>> -> memref<2048xf32, #tpu.memory_space<hbm>>
      %dma_start3A_517 = tpu.memref_slice %arg5[%add3A_513] : memref<33554432xf32, #tpu.memory_space<hbm>> -> memref<2048xf32, #tpu.memory_space<hbm>>
      %dma_start3A_518 = arith.constant 12288 : i32
      %dma_start3A_519 = tpu.memref_slice %arg9[%dma_start3A_518] : memref<32768xf32, #tpu.memory_space<vmem>> -> memref<2048xf32, #tpu.memory_space<vmem>>
      tpu.enqueue_dma source(%dma_start3A_519 : memref<2048xf32, #tpu.memory_space<vmem>>) target(%dma_start3A_517 : memref<2048xf32, #tpu.memory_space<hbm>>) target_semaphore(%arg15 : memref<!tpu.dma_semaphore, #tpu.memory_space<semaphore_mem>>)
      %mul3A_520 = arith.constant 8 : i32
      %mul3A_521 = arith.muli %select_n3A, %mul3A_520 : i32
      %add3A_522 = arith.constant 3 : i32
      %add3A_523 = arith.addi %mul3A_521, %add3A_522 : i32
      %mul3A_524 = arith.constant 2097152 : i32
      %mul3A_525 = arith.muli %add3A_523, %mul3A_524 : i32
      %add3A_526 = arith.constant 1048576 : i32
      %add3A_527 = arith.addi %mul3A_525, %add3A_526 : i32
      %mul3A_528 = arith.constant 1024 : i32
      %mul3A_529 = arith.muli %add3A_381, %mul3A_528 : i32
      %add3A_530 = arith.addi %add3A_527, %mul3A_529 : i32
      %dma_start3A_531 = arith.constant 14336 : i32
      %dma_start3A_532 = tpu.memref_slice %arg9[%dma_start3A_531] : memref<32768xf32, #tpu.memory_space<vmem>> -> memref<2048xf32, #tpu.memory_space<vmem>>
      %dma_start3A_533 = tpu.memref_slice %arg5[%add3A_530] : memref<33554432xf32, #tpu.memory_space<hbm>> -> memref<2048xf32, #tpu.memory_space<hbm>>
      %dma_start3A_534 = tpu.memref_slice %arg5[%add3A_530] : memref<33554432xf32, #tpu.memory_space<hbm>> -> memref<2048xf32, #tpu.memory_space<hbm>>
      %dma_start3A_535 = arith.constant 14336 : i32
      %dma_start3A_536 = tpu.memref_slice %arg9[%dma_start3A_535] : memref<32768xf32, #tpu.memory_space<vmem>> -> memref<2048xf32, #tpu.memory_space<vmem>>
      tpu.enqueue_dma source(%dma_start3A_536 : memref<2048xf32, #tpu.memory_space<vmem>>) target(%dma_start3A_534 : memref<2048xf32, #tpu.memory_space<hbm>>) target_semaphore(%arg15 : memref<!tpu.dma_semaphore, #tpu.memory_space<semaphore_mem>>)
      %mul3A_537 = arith.constant 8 : i32
      %mul3A_538 = arith.muli %select_n3A, %mul3A_537 : i32
      %add3A_539 = arith.constant 4 : i32
      %add3A_540 = arith.addi %mul3A_538, %add3A_539 : i32
      %mul3A_541 = arith.constant 2097152 : i32
      %mul3A_542 = arith.muli %add3A_540, %mul3A_541 : i32
      %add3A_543 = arith.constant 0 : i32
      %add3A_544 = arith.addi %mul3A_542, %add3A_543 : i32
      %mul3A_545 = arith.constant 1024 : i32
      %mul3A_546 = arith.muli %add3A_381, %mul3A_545 : i32
      %add3A_547 = arith.addi %add3A_544, %mul3A_546 : i32
      %dma_start3A_548 = arith.constant 16384 : i32
      %dma_start3A_549 = tpu.memref_slice %arg9[%dma_start3A_548] : memref<32768xf32, #tpu.memory_space<vmem>> -> memref<2048xf32, #tpu.memory_space<vmem>>
      %dma_start3A_550 = tpu.memref_slice %arg5[%add3A_547] : memref<33554432xf32, #tpu.memory_space<hbm>> -> memref<2048xf32, #tpu.memory_space<hbm>>
      %dma_start3A_551 = tpu.memref_slice %arg5[%add3A_547] : memref<33554432xf32, #tpu.memory_space<hbm>> -> memref<2048xf32, #tpu.memory_space<hbm>>
      %dma_start3A_552 = arith.constant 16384 : i32
      %dma_start3A_553 = tpu.memref_slice %arg9[%dma_start3A_552] : memref<32768xf32, #tpu.memory_space<vmem>> -> memref<2048xf32, #tpu.memory_space<vmem>>
      tpu.enqueue_dma source(%dma_start3A_553 : memref<2048xf32, #tpu.memory_space<vmem>>) target(%dma_start3A_551 : memref<2048xf32, #tpu.memory_space<hbm>>) target_semaphore(%arg15 : memref<!tpu.dma_semaphore, #tpu.memory_space<semaphore_mem>>)
      %mul3A_554 = arith.constant 8 : i32
      %mul3A_555 = arith.muli %select_n3A, %mul3A_554 : i32
      %add3A_556 = arith.constant 4 : i32
      %add3A_557 = arith.addi %mul3A_555, %add3A_556 : i32
      %mul3A_558 = arith.constant 2097152 : i32
      %mul3A_559 = arith.muli %add3A_557, %mul3A_558 : i32
      %add3A_560 = arith.constant 1048576 : i32
      %add3A_561 = arith.addi %mul3A_559, %add3A_560 : i32
      %mul3A_562 = arith.constant 1024 : i32
      %mul3A_563 = arith.muli %add3A_381, %mul3A_562 : i32
      %add3A_564 = arith.addi %add3A_561, %mul3A_563 : i32
      %dma_start3A_565 = arith.constant 18432 : i32
      %dma_start3A_566 = tpu.memref_slice %arg9[%dma_start3A_565] : memref<32768xf32, #tpu.memory_space<vmem>> -> memref<2048xf32, #tpu.memory_space<vmem>>
      %dma_start3A_567 = tpu.memref_slice %arg5[%add3A_564] : memref<33554432xf32, #tpu.memory_space<hbm>> -> memref<2048xf32, #tpu.memory_space<hbm>>
      %dma_start3A_568 = tpu.memref_slice %arg5[%add3A_564] : memref<33554432xf32, #tpu.memory_space<hbm>> -> memref<2048xf32, #tpu.memory_space<hbm>>
      %dma_start3A_569 = arith.constant 18432 : i32
      %dma_start3A_570 = tpu.memref_slice %arg9[%dma_start3A_569] : memref<32768xf32, #tpu.memory_space<vmem>> -> memref<2048xf32, #tpu.memory_space<vmem>>
      tpu.enqueue_dma source(%dma_start3A_570 : memref<2048xf32, #tpu.memory_space<vmem>>) target(%dma_start3A_568 : memref<2048xf32, #tpu.memory_space<hbm>>) target_semaphore(%arg15 : memref<!tpu.dma_semaphore, #tpu.memory_space<semaphore_mem>>)
      %mul3A_571 = arith.constant 8 : i32
      %mul3A_572 = arith.muli %select_n3A, %mul3A_571 : i32
      %add3A_573 = arith.constant 5 : i32
      %add3A_574 = arith.addi %mul3A_572, %add3A_573 : i32
      %mul3A_575 = arith.constant 2097152 : i32
      %mul3A_576 = arith.muli %add3A_574, %mul3A_575 : i32
      %add3A_577 = arith.constant 0 : i32
      %add3A_578 = arith.addi %mul3A_576, %add3A_577 : i32
      %mul3A_579 = arith.constant 1024 : i32
      %mul3A_580 = arith.muli %add3A_381, %mul3A_579 : i32
      %add3A_581 = arith.addi %add3A_578, %mul3A_580 : i32
      %dma_start3A_582 = arith.constant 20480 : i32
      %dma_start3A_583 = tpu.memref_slice %arg9[%dma_start3A_582] : memref<32768xf32, #tpu.memory_space<vmem>> -> memref<2048xf32, #tpu.memory_space<vmem>>
      %dma_start3A_584 = tpu.memref_slice %arg5[%add3A_581] : memref<33554432xf32, #tpu.memory_space<hbm>> -> memref<2048xf32, #tpu.memory_space<hbm>>
      %dma_start3A_585 = tpu.memref_slice %arg5[%add3A_581] : memref<33554432xf32, #tpu.memory_space<hbm>> -> memref<2048xf32, #tpu.memory_space<hbm>>
      %dma_start3A_586 = arith.constant 20480 : i32
      %dma_start3A_587 = tpu.memref_slice %arg9[%dma_start3A_586] : memref<32768xf32, #tpu.memory_space<vmem>> -> memref<2048xf32, #tpu.memory_space<vmem>>
      tpu.enqueue_dma source(%dma_start3A_587 : memref<2048xf32, #tpu.memory_space<vmem>>) target(%dma_start3A_585 : memref<2048xf32, #tpu.memory_space<hbm>>) target_semaphore(%arg15 : memref<!tpu.dma_semaphore, #tpu.memory_space<semaphore_mem>>)
      %mul3A_588 = arith.constant 8 : i32
      %mul3A_589 = arith.muli %select_n3A, %mul3A_588 : i32
      %add3A_590 = arith.constant 5 : i32
      %add3A_591 = arith.addi %mul3A_589, %add3A_590 : i32
      %mul3A_592 = arith.constant 2097152 : i32
      %mul3A_593 = arith.muli %add3A_591, %mul3A_592 : i32
      %add3A_594 = arith.constant 1048576 : i32
      %add3A_595 = arith.addi %mul3A_593, %add3A_594 : i32
      %mul3A_596 = arith.constant 1024 : i32
      %mul3A_597 = arith.muli %add3A_381, %mul3A_596 : i32
      %add3A_598 = arith.addi %add3A_595, %mul3A_597 : i32
      %dma_start3A_599 = arith.constant 22528 : i32
      %dma_start3A_600 = tpu.memref_slice %arg9[%dma_start3A_599] : memref<32768xf32, #tpu.memory_space<vmem>> -> memref<2048xf32, #tpu.memory_space<vmem>>
      %dma_start3A_601 = tpu.memref_slice %arg5[%add3A_598] : memref<33554432xf32, #tpu.memory_space<hbm>> -> memref<2048xf32, #tpu.memory_space<hbm>>
      %dma_start3A_602 = tpu.memref_slice %arg5[%add3A_598] : memref<33554432xf32, #tpu.memory_space<hbm>> -> memref<2048xf32, #tpu.memory_space<hbm>>
      %dma_start3A_603 = arith.constant 22528 : i32
      %dma_start3A_604 = tpu.memref_slice %arg9[%dma_start3A_603] : memref<32768xf32, #tpu.memory_space<vmem>> -> memref<2048xf32, #tpu.memory_space<vmem>>
      tpu.enqueue_dma source(%dma_start3A_604 : memref<2048xf32, #tpu.memory_space<vmem>>) target(%dma_start3A_602 : memref<2048xf32, #tpu.memory_space<hbm>>) target_semaphore(%arg15 : memref<!tpu.dma_semaphore, #tpu.memory_space<semaphore_mem>>)
      %mul3A_605 = arith.constant 8 : i32
      %mul3A_606 = arith.muli %select_n3A, %mul3A_605 : i32
      %add3A_607 = arith.constant 6 : i32
      %add3A_608 = arith.addi %mul3A_606, %add3A_607 : i32
      %mul3A_609 = arith.constant 2097152 : i32
      %mul3A_610 = arith.muli %add3A_608, %mul3A_609 : i32
      %add3A_611 = arith.constant 0 : i32
      %add3A_612 = arith.addi %mul3A_610, %add3A_611 : i32
      %mul3A_613 = arith.constant 1024 : i32
      %mul3A_614 = arith.muli %add3A_381, %mul3A_613 : i32
      %add3A_615 = arith.addi %add3A_612, %mul3A_614 : i32
      %dma_start3A_616 = arith.constant 24576 : i32
      %dma_start3A_617 = tpu.memref_slice %arg9[%dma_start3A_616] : memref<32768xf32, #tpu.memory_space<vmem>> -> memref<2048xf32, #tpu.memory_space<vmem>>
      %dma_start3A_618 = tpu.memref_slice %arg5[%add3A_615] : memref<33554432xf32, #tpu.memory_space<hbm>> -> memref<2048xf32, #tpu.memory_space<hbm>>
      %dma_start3A_619 = tpu.memref_slice %arg5[%add3A_615] : memref<33554432xf32, #tpu.memory_space<hbm>> -> memref<2048xf32, #tpu.memory_space<hbm>>
      %dma_start3A_620 = arith.constant 24576 : i32
      %dma_start3A_621 = tpu.memref_slice %arg9[%dma_start3A_620] : memref<32768xf32, #tpu.memory_space<vmem>> -> memref<2048xf32, #tpu.memory_space<vmem>>
      tpu.enqueue_dma source(%dma_start3A_621 : memref<2048xf32, #tpu.memory_space<vmem>>) target(%dma_start3A_619 : memref<2048xf32, #tpu.memory_space<hbm>>) target_semaphore(%arg15 : memref<!tpu.dma_semaphore, #tpu.memory_space<semaphore_mem>>)
      %mul3A_622 = arith.constant 8 : i32
      %mul3A_623 = arith.muli %select_n3A, %mul3A_622 : i32
      %add3A_624 = arith.constant 6 : i32
      %add3A_625 = arith.addi %mul3A_623, %add3A_624 : i32
      %mul3A_626 = arith.constant 2097152 : i32
      %mul3A_627 = arith.muli %add3A_625, %mul3A_626 : i32
      %add3A_628 = arith.constant 1048576 : i32
      %add3A_629 = arith.addi %mul3A_627, %add3A_628 : i32
      %mul3A_630 = arith.constant 1024 : i32
      %mul3A_631 = arith.muli %add3A_381, %mul3A_630 : i32
      %add3A_632 = arith.addi %add3A_629, %mul3A_631 : i32
      %dma_start3A_633 = arith.constant 26624 : i32
      %dma_start3A_634 = tpu.memref_slice %arg9[%dma_start3A_633] : memref<32768xf32, #tpu.memory_space<vmem>> -> memref<2048xf32, #tpu.memory_space<vmem>>
      %dma_start3A_635 = tpu.memref_slice %arg5[%add3A_632] : memref<33554432xf32, #tpu.memory_space<hbm>> -> memref<2048xf32, #tpu.memory_space<hbm>>
      %dma_start3A_636 = tpu.memref_slice %arg5[%add3A_632] : memref<33554432xf32, #tpu.memory_space<hbm>> -> memref<2048xf32, #tpu.memory_space<hbm>>
      %dma_start3A_637 = arith.constant 26624 : i32
      %dma_start3A_638 = tpu.memref_slice %arg9[%dma_start3A_637] : memref<32768xf32, #tpu.memory_space<vmem>> -> memref<2048xf32, #tpu.memory_space<vmem>>
      tpu.enqueue_dma source(%dma_start3A_638 : memref<2048xf32, #tpu.memory_space<vmem>>) target(%dma_start3A_636 : memref<2048xf32, #tpu.memory_space<hbm>>) target_semaphore(%arg15 : memref<!tpu.dma_semaphore, #tpu.memory_space<semaphore_mem>>)
      %mul3A_639 = arith.constant 8 : i32
      %mul3A_640 = arith.muli %select_n3A, %mul3A_639 : i32
      %add3A_641 = arith.constant 7 : i32
      %add3A_642 = arith.addi %mul3A_640, %add3A_641 : i32
      %mul3A_643 = arith.constant 2097152 : i32
      %mul3A_644 = arith.muli %add3A_642, %mul3A_643 : i32
      %add3A_645 = arith.constant 0 : i32
      %add3A_646 = arith.addi %mul3A_644, %add3A_645 : i32
      %mul3A_647 = arith.constant 1024 : i32
      %mul3A_648 = arith.muli %add3A_381, %mul3A_647 : i32
      %add3A_649 = arith.addi %add3A_646, %mul3A_648 : i32
      %dma_start3A_650 = arith.constant 28672 : i32
      %dma_start3A_651 = tpu.memref_slice %arg9[%dma_start3A_650] : memref<32768xf32, #tpu.memory_space<vmem>> -> memref<2048xf32, #tpu.memory_space<vmem>>
      %dma_start3A_652 = tpu.memref_slice %arg5[%add3A_649] : memref<33554432xf32, #tpu.memory_space<hbm>> -> memref<2048xf32, #tpu.memory_space<hbm>>
      %dma_start3A_653 = tpu.memref_slice %arg5[%add3A_649] : memref<33554432xf32, #tpu.memory_space<hbm>> -> memref<2048xf32, #tpu.memory_space<hbm>>
      %dma_start3A_654 = arith.constant 28672 : i32
      %dma_start3A_655 = tpu.memref_slice %arg9[%dma_start3A_654] : memref<32768xf32, #tpu.memory_space<vmem>> -> memref<2048xf32, #tpu.memory_space<vmem>>
      tpu.enqueue_dma source(%dma_start3A_655 : memref<2048xf32, #tpu.memory_space<vmem>>) target(%dma_start3A_653 : memref<2048xf32, #tpu.memory_space<hbm>>) target_semaphore(%arg15 : memref<!tpu.dma_semaphore, #tpu.memory_space<semaphore_mem>>)
      %mul3A_656 = arith.constant 8 : i32
      %mul3A_657 = arith.muli %select_n3A, %mul3A_656 : i32
      %add3A_658 = arith.constant 7 : i32
      %add3A_659 = arith.addi %mul3A_657, %add3A_658 : i32
      %mul3A_660 = arith.constant 2097152 : i32
      %mul3A_661 = arith.muli %add3A_659, %mul3A_660 : i32
      %add3A_662 = arith.constant 1048576 : i32
      %add3A_663 = arith.addi %mul3A_661, %add3A_662 : i32
      %mul3A_664 = arith.constant 1024 : i32
      %mul3A_665 = arith.muli %add3A_381, %mul3A_664 : i32
      %add3A_666 = arith.addi %add3A_663, %mul3A_665 : i32
      %dma_start3A_667 = arith.constant 30720 : i32
      %dma_start3A_668 = tpu.memref_slice %arg9[%dma_start3A_667] : memref<32768xf32, #tpu.memory_space<vmem>> -> memref<2048xf32, #tpu.memory_space<vmem>>
      %dma_start3A_669 = tpu.memref_slice %arg5[%add3A_666] : memref<33554432xf32, #tpu.memory_space<hbm>> -> memref<2048xf32, #tpu.memory_space<hbm>>
      %dma_start3A_670 = tpu.memref_slice %arg5[%add3A_666] : memref<33554432xf32, #tpu.memory_space<hbm>> -> memref<2048xf32, #tpu.memory_space<hbm>>
      %dma_start3A_671 = arith.constant 30720 : i32
      %dma_start3A_672 = tpu.memref_slice %arg9[%dma_start3A_671] : memref<32768xf32, #tpu.memory_space<vmem>> -> memref<2048xf32, #tpu.memory_space<vmem>>
      tpu.enqueue_dma source(%dma_start3A_672 : memref<2048xf32, #tpu.memory_space<vmem>>) target(%dma_start3A_670 : memref<2048xf32, #tpu.memory_space<hbm>>) target_semaphore(%arg15 : memref<!tpu.dma_semaphore, #tpu.memory_space<semaphore_mem>>)
    }
    %scan3A_61 = arith.constant 16 : i32
    %dma_wait3A = arith.constant 0 : i32
    %dma_wait3A_62 = tpu.memref_slice %arg5[%dma_wait3A] : memref<33554432xf32, #tpu.memory_space<hbm>> -> memref<32768xf32, #tpu.memory_space<hbm>>
    %dma_wait3A_63 = arith.constant 0 : i32
    %dma_wait3A_64 = tpu.memref_slice %arg5[%dma_wait3A_63] : memref<33554432xf32, #tpu.memory_space<hbm>> -> memref<32768xf32, #tpu.memory_space<hbm>>
    tpu.wait_dma2 semaphore(%arg14 : memref<!tpu.dma_semaphore, #tpu.memory_space<semaphore_mem>>) src(%arg8 : memref<32768xf32, #tpu.memory_space<vmem>>) dst(%dma_wait3A_64 : memref<32768xf32, #tpu.memory_space<hbm>>)
    %dma_wait3A_65 = arith.constant 0 : i32
    %dma_wait3A_66 = tpu.memref_slice %arg5[%dma_wait3A_65] : memref<33554432xf32, #tpu.memory_space<hbm>> -> memref<32768xf32, #tpu.memory_space<hbm>>
    %dma_wait3A_67 = arith.constant 0 : i32
    %dma_wait3A_68 = tpu.memref_slice %arg5[%dma_wait3A_67] : memref<33554432xf32, #tpu.memory_space<hbm>> -> memref<32768xf32, #tpu.memory_space<hbm>>
    tpu.wait_dma2 semaphore(%arg15 : memref<!tpu.dma_semaphore, #tpu.memory_space<semaphore_mem>>) src(%arg9 : memref<32768xf32, #tpu.memory_space<vmem>>) dst(%dma_wait3A_68 : memref<32768xf32, #tpu.memory_space<hbm>>)
    return
  }
}

</mosaic_0001>

<sc_bundles>
// kernel: _hat_spline_sc.3.cloned.1.call-start
scs
__scs_entry_jumppad:
0x0: {  	(pc) =	sbr.rel $0x88, $3  }
0x1: {  	(tag) =	ssettag $0x0;
	lr =	simm.s32 $0x1  }
0x2: {  	[smem:$0x3FA0] =	sst lr;
	_ =	strace $0xD0000000  }
0x3: {  	_ = 	snop  }
0x4: {  	_ = 	snop  }
0x5: {  	_ = 	snop  }
0x6: {  	_ = 	snop  }
0x7: {  	_ = 	snop  }
__scs_overlays_trampoline_lowered:
0x8: {  	[smem:$0x3FAF] =	sst s0  }
0x9: {  	[smem:$0x3FB0] =	sst s1  }
0xa: {  	[smem:$0x3FB1] =	sst s2  }
0xb: {  	[smem:$0x3FB2] =	sst s3  }
0xc: {  	[smem:$0x3FB3] =	sst s4  }
0xd: {  	[smem:$0x3FB4] =	sst s5  }
0xe: {  	[smem:$0x3FB5] =	sst s6  }
0xf: {  	[smem:$0x3FB6] =	sst s7  }
0x10: {  	[smem:$0x3FB7] =	sst s8  }
0x11: {  	[smem:$0x3FB8] =	sst s9;
	s0 =	simm.s32 @!p0 $0x0  }
0x12: {  	s1 =	sld [smem:$0x3F9E];
	s0 =	simm.s32 @p0 $0x1  }
0x13: {  	[smem:$0x3FB9] =	sst s0;
	s0 =	simm.s32 @!p1 $0x0  }
0x14: {  	s2 =	sld [smem:$0x3F9D];
	s0 =	simm.s32 @p1 $0x1  }
0x15: {  	[smem:$0x3FBA] =	sst s0;
	s0 =	simm.s32 @!p2 $0x0  }
0x16: {  	s3 =	sld [smem:$0x3FDB];
	s0 =	simm.s32 @p2 $0x1  }
0x17: {  	s4 =	simm.s32 $0x1BF5;
	[smem:$0x3FBC] =	sst s0  }
0x18: {  	s0 =	sld [smem:$0x3F9F];
	_ =	swait.ge [sflag:s4], $0x0  }
0x19: {  	s7 =	sld [smem:$0x3FA0]  }
0x1a: {  	s8 =	sadd.s32 $0xFFFFE003, lr  }
0x1b: {  	s9 =	sadd.s32 $0xFFFFFEF7, lr;
	s5 =	simm.s32 $0xFFFFFFFF;
	p2 =	slt.u32 s8, $0xFFFFF086  }
0x1c: {  	p1 =	slt.u32 s9, $0xF7A;
	s5 =	simm.s32 @!p2 $0x0  }
0x1d: {  	s5 =	simm.s32 @p1 $0x1;
	p0 =	seq.s32 s7, s2  }
0x1e: {  	s7 =	smul.u32 @!p0 $0xF7A, s2;
	p2 =	seq.s32 @!p0 s5, $0x0  }
0x1f: {  	s9 =	smul.u32 $0xF7A, s1;
	s8 =	simm.s32 @!p0 $0x1BF5;
	p2 =	por !p2, p0  }
0x20: {  	[sflag:s8] =	ssyncset.s32 @!p0 $0xFFFFF086;
	s6 =	sadd.s32 @!p0 s3, s7;
	s7 =	simm.s32 @!p0 $0x108  }
0x21: {  	s3 =	sadd.s32 s3, s9;
	s6 =	sadd.s32 @!p0 $0x88, s6;
	s7 =	simm.s32 @p2 $0x1082  }
0x22: {  	[simem:s7], [sflag:s8] =	dma.local @!p0 [hbm:s6], $0xF7A  }
0x23: {  	s9 =	sor.u32 $0xD0000000, s2;
	s6 =	simm.s32 $0x108;
	_ =	swait.ge @!p0 [sflag:s8], $0x0  }
0x24: {  	s3 =	sadd.s32 $0x88, s3;
	s6 =	simm.s32 @!p1 $0x1082;
	[sflag:s4] =	ssyncset.s32 $0xFFFFF086  }
0x25: {  	[simem:s6], [sflag:s4] =	dma.local [hbm:s3], $0xF7A  }
0x26: {  	[smem:$0x3FA0] =	sst s1;
	(tag) =	ssettag s2;
	_ =	strace s9  }
0x27: {  	s1 =	sld [smem:$0x3FB0]  }
0x28: {  	s2 =	sld [smem:$0x3FB1]  }
0x29: {  	s4 =	sld [smem:$0x3FB3]  }
0x2a: {  	p0 =	seq.s32 s5, $0x0;
	s5 =	sld [smem:$0x3FB4]  }
0x2b: {  	s6 =	sld [smem:$0x3FB5]  }
0x2c: {  	s7 =	sld [smem:$0x3FB6]  }
0x2d: {  	s3 =	simm.s32 $0x108;
	s8 =	sld [smem:$0x3FB7]  }
0x2e: {  	s3 =	simm.s32 @!p0 $0x1082;
	s9 =	sld [smem:$0x3FB8]  }
0x2f: {  	lr =	sadd.s32 s0, s3;
	s0 =	sld [smem:$0x3FAF]  }
0x30: {  	s3 =	sld [smem:$0x3FB2]  }
0x31: {  	[smem:$0x3FBB] =	sst s10  }
0x32: {  	s10 =	sld [smem:$0x3FB9];
	_ =	sdelay $0x3  }
0x33: {  	p0 =	seq.s32 s10, $0x1;
	s10 =	sld [smem:$0x3FBB];
	_ =	sdelay $0x3  }
0x34: {  	[smem:$0x3FBB] =	sst s10  }
0x35: {  	s10 =	sld [smem:$0x3FBA];
	_ =	sdelay $0x3  }
0x36: {  	p1 =	seq.s32 s10, $0x1;
	s10 =	sld [smem:$0x3FBB];
	_ =	sdelay $0x3  }
0x37: {  	[smem:$0x3FBB] =	sst s10  }
0x38: {  	s10 =	sld [smem:$0x3FBC]  }
0x39: {  	_ = 	snop;
	(pc) =	sbr.ind lr, $3  }
0x3a: {  	_ = 	snop  }
0x3b: {  	_ = 	snop  }
0x3c: {  	p2 =	seq.s32 s10, $0x1;
	s10 =	sld [smem:$0x3FBB]  }
0x3d: {  	_ =	shalt  }
0x3e: {  	_ =	shalt  }
0x3f: {  	_ =	shalt  }
0x40: {  	_ =	shalt  }
0x41: {  	_ =	shalt  }
0x42: {  	_ =	shalt  }
0x43: {  	_ =	shalt  }
0x44: {  	_ =	shalt  }
0x45: {  	_ =	shalt  }
0x46: {  	_ =	shalt  }
0x47: {  	_ =	shalt  }
0x48: {  	_ =	shalt  }
0x49: {  	_ =	shalt  }
0x4a: {  	_ =	shalt  }
0x4b: {  	_ =	shalt  }
0x4c: {  	_ =	shalt  }
0x4d: {  	_ =	shalt  }
0x4e: {  	_ =	shalt  }
0x4f: {  	_ =	shalt  }
0x50: {  	_ =	shalt  }
0x51: {  	_ =	shalt  }
0x52: {  	_ =	shalt  }
0x53: {  	_ =	shalt  }
0x54: {  	_ =	shalt  }
0x55: {  	_ =	shalt  }
0x56: {  	_ =	shalt  }
0x57: {  	_ =	shalt  }
0x58: {  	_ =	shalt  }
0x59: {  	_ =	shalt  }
0x5a: {  	_ =	shalt  }
0x5b: {  	_ =	shalt  }
0x5c: {  	_ =	shalt  }
0x5d: {  	_ =	shalt  }
0x5e: {  	_ =	shalt  }
0x5f: {  	_ =	shalt  }
0x60: {  	_ =	shalt  }
0x61: {  	_ =	shalt  }
0x62: {  	_ =	shalt  }
0x63: {  	_ =	shalt  }
0x64: {  	_ =	shalt  }
0x65: {  	_ =	shalt  }
0x66: {  	_ =	shalt  }
0x67: {  	_ =	shalt  }
0x68: {  	_ =	shalt  }
0x69: {  	_ =	shalt  }
0x6a: {  	_ =	shalt  }
0x6b: {  	_ =	shalt  }
0x6c: {  	_ =	shalt  }
0x6d: {  	_ =	shalt  }
0x6e: {  	_ =	shalt  }
0x6f: {  	_ =	shalt  }
0x70: {  	_ =	shalt  }
0x71: {  	_ =	shalt  }
0x72: {  	_ =	shalt  }
0x73: {  	_ =	shalt  }
0x74: {  	_ =	shalt  }
0x75: {  	_ =	shalt  }
0x76: {  	_ =	shalt  }
0x77: {  	_ =	shalt  }
0x78: {  	_ =	shalt  }
0x79: {  	_ =	shalt  }
0x7a: {  	_ =	shalt  }
0x7b: {  	_ =	shalt  }
0x7c: {  	_ =	shalt  }
0x7d: {  	_ =	shalt  }
0x7e: {  	_ =	shalt  }
0x7f: {  	_ =	shalt  }
0x80: {  	_ =	shalt  }
0x81: {  	_ =	shalt  }
0x82: {  	_ =	shalt  }
0x83: {  	_ =	shalt  }
0x84: {  	_ =	shalt  }
0x85: {  	_ =	shalt  }
0x86: {  	_ =	shalt  }
0x87: {  	_ =	shalt  }
.Lfunc_end0:
.L_simem_size_0:
called_computation_lowered:
.L_overlay_start_0:
0x88: {  	s2 =	sld [smem:$0x3FD9]  }
0x89: {  	s3 =	sld [smem:$0x3FFE];
	_ =	sdelay $0x1  }
0x8a: {  	s1 =	srdreg.scid  }
0x8b: {  	s0 =	sand.u32 $0x1, s1  }
0x8c: {  	s17 =	sshll.u32 s0, $0xA;
	s2 =	sadd.s32 s3, s2  }
0x8d: {  	s2 =	sadd.s32 s2, s17  }
0x8e: {  	[smem:$0x3FC7] =	sst s2  }
0x8f: {  	_ = 	snop  }
0x90: {  	s2 =	sld [smem:$0x3FC9]  }
0x91: {  	s18 =	sld [smem:$0x3FD0];
	(tm) =	ssettm $0x1  }
0x92: {  	s4 =	sld [smem:$0x3FFB];
	_ =	sdelay $0x3  }
0x93: {  	_ =	strace s4  }
0x94: {  	s4 =	sld [smem:$0x3FFC];
	_ =	sdelay $0x3  }
0x95: {  	_ =	strace s4  }
0x96: {  	s4 =	sld [smem:$0x3FFD];
	_ =	sdelay $0x3  }
0x97: {  	_ =	strace s4  }
0x98: {  	_ =	strace $0x8FFFFFFF  }
0x99: {  	s19 =	sld [smem:$0x3FDB];
	_ =	sdelay $0x1  }
0x9a: {  	s5 =	simm.s32 $_scs_section_size  }
0x9b: {  	s6 =	simm.s32 $_size__tile_overlayer_lowered;
	s7 =	simm.s32 $_tile_overlayer_lowered  }
0x9c: {  	s22 =	simm.s32 $0x1BFF;
	s21 =	sshll.u32 s7, $0x1;
	s4 =	sadd.s32 s5, s19  }
0x9d: {  	s8 =	simm.s32 $0x0;
	s20 =	sshll.u32 s6, $0x1;
	s6 =	sadd.s32 s21, s4  }
0x9e: {  	[timem:s8], [sflag:s22] =	dma.local [hbm:s6], s20  }
0x9f: {  	_ =	swait.ge [sflag:s22], s20  }
0xa0: {  	s5 =	ssub.s32 $0x0, s20;
	[sflag:s22] =	ssyncset.done $0x0  }
0xa1: {  	[sflag:s22] =	ssyncadd.s32 s5;
	_ =	sdelay $0x1  }
0xa2: {  	s23 =	simm.s32 $0x1B8B  }
0xa3: {  	_ =	swait.ge [sflag:s23], $0x1  }
0xa4: {  	[sflag:s23] =	ssyncset.done $0x0  }
0xa5: {  	s25 =	simm.s32 $0x1B8E;
	s24 =	sld [smem:$0x3FFE];
	[sflag:s23] =	ssyncadd.s32 $0xFFFFFFFF  }
0xa6: {  	s26 =	simm.s32 $execute0_lowered;
	[smem:$0x3FD2] =	sst s25  }
0xa7: {  	s6 =	sshll.u32 s26, $0x1;
	_ =	strace $0x80000046;
	[dreg:$0x1] =	wrdreg $0xFFFFFFFF  }
0xa8: {  	s28 =	simm.s32 $_size_execute0_lowered;
	s4 =	sadd.s32 s4, s6;
	[dreg:$0x0] =	wrdreg $0x0  }
0xa9: {  	s6 =	sshll.u32 s28, $0x1;
	[dreg:$0x2] =	wrdreg s4  }
0xaa: {  	[dreg:$0x3] =	wrdreg s6  }
0xab: {  	[dreg:$0x4] =	wrdreg $0xC0  }
0xac: {  	_ =	task [dreg:s8], $0x5FFFF  }
0xad: {  	[dreg:$0x1] =	wrdreg $0xFFFFFFFF  }
0xae: {  	[dreg:$0x0] =	wrdreg $0x60  }
0xaf: {  	[dreg:$0x2] =	wrdreg s2  }
0xb0: {  	[dreg:$0x3] =	wrdreg s24  }
0xb1: {  	[dreg:$0x4] =	wrdreg s18  }
0xb2: {  	[dreg:$0x5] =	wrdreg $0x9  }
0xb3: {  	_ =	task.clear_ibuf [dreg:s8], $0x6FFFF;
	_ =	strace $0x90000046  }
0xb4: {  	s29 =	simm.s32 $0x9;
	_ =	strace $0x80000048  }
0xb5: {  	_ =	swait.ge [sflag:s29], $0x1  }
0xb6: {  	[sflag:s29] =	ssyncadd.s32 $0xFFFFFFFF  }
0xb7: {  	_ =	strace $0x90000048  }
0xb8: {  	_ =	sfence  }
0xb9: {  	s30 =	sld [smem:$0x0];
	_ =	sdelay $0x2  }
0xba: {  	s31 =	sshll.u32 s1, $0xD;
	s1 =	sshrl.u32 s1, $0x2  }
0xbb: {  	s3 =	sand.u32 $0x4000, s31;
	s1 =	sadd.s32 s1, s30  }
0xbc: {  	s0 =	sor.u32 s3, s0;
	s1 =	sshll.u32 s1, $0x11  }
0xbd: {  	s0 =	sor.u32 s1, s0  }
0xbe: {  	s0 =	sadd.s32 $0x8F2B, s0  }
0xbf: {  	[sflag:s0] =	ssyncadd.remote.s32 $0x1  }
0xc0: {  	_ =	sfence.sel $0xFFFF  }
0xc1: {  	[dreg:$0x0] =	wrdreg $0xFFFFFFFF;
	(pc) =	sbr.abs _section_cstart, $3  }
0xc2: {  	[dreg:$0x1] =	wrdreg $0xFFFFFFFF  }
0xc3: {  	_ =	task.clear_ibuf [dreg:s8], $0x2FFFF;
	_ =	strace $0x9FFFFFFF  }
0xc4: {  	(tm) =	ssettm $0x7FFFFFFF  }
0xc5: {  	_ =	shalt  }
tec
execute0_lowered:
.L_overlay_start_1:
0x0: {  	(tag) =	ssettag $0x1  }
0x1: {  	s6 =	rddreg [dreg:$0x0]  }
0x2: {  	s0 =	rddreg [dreg:$0x1]  }
0x3: {  	s2 =	rddreg [dreg:$0x2]  }
0x4: {  	s4 =	simm.s32 $0x0;
	s1 =	srdreg.scid;
	s7 =	stileid.u32  }
0x5: {  	s28 =	simm.s32 $0x9000;
	[smem:$0x7FF] =	sst s4;
	s1 =	sand.u32 $0x1, s1  }
0x6: {  	s5 =	sshll.u32 s7, $0x1;
	s0 =	sadd.s32 $0x400, s0;
	s26 =	sshll.u32 s7, $0x15  }
0x7: {  	_ =	strace $0x80000047;
	s3 =	ssub.s32 $0x2, s1;
	[dreg:$0x4] =	wrdreg s0  }
0x8: {  	s1 =	sor.u32 s1, s5;
	s10 =	sand.u32 $0x1000000, s26;
	s22 =	sshrl.u32 s3, $0x1  }
0x9: {  	s23 =	sshll.u32 s1, $0x10;
	s1 =	sshll.u32 s1, $0xD;
	s29 =	sor.u32 $0x100000, s10  }
0xa: {  	s30 =	sor.u32 $0x200000, s10;
	s31 =	sor.u32 $0x300000, s10;
	s14 =	sor.u32 $0x400000, s10  }
0xb: {  	s15 =	sor.u32 $0x500000, s10;
	s16 =	sor.u32 $0x600000, s10;
	s17 =	sor.u32 $0x700000, s10  }
0xc: {  	s18 =	sor.u32 $0x800000, s10;
	s19 =	sor.u32 $0x900000, s10;
	[dreg:$0x9] =	wrdreg s29  }
0xd: {  	s20 =	sor.u32 $0xA00000, s10;
	s21 =	sor.u32 $0xB00000, s10;
	[dreg:$0xa] =	wrdreg s30  }
0xe: {  	s0 =	ssub.s32 s3, s22;
	s24 =	sand.u32 $0xF0000, s23;
	[dreg:$0xb] =	wrdreg s31  }
0xf: {  	s25 =	sadd.s32 s6, s1;
	s3 =	sor.u32 $0x1000, s23;
	[dreg:$0x5] =	wrdreg s24  }
0x10: {  	s22 =	sor.u32 $0xC00000, s10;
	s23 =	sor.u32 $0xE00000, s26;
	[dreg:$0x6] =	wrdreg s25  }
0x11: {  	s5 =	sadd.s32 $0x100, s25;
	[dreg:$0x8] =	wrdreg s3;
	s24 =	sor.u32 $0xF00000, s26  }
0x12: {  	s0 =	smax.u32 s0, $0x1;
	s26 =	sor.u32 $0xD00000, s10;
	[dreg:$0x7] =	wrdreg s5  }
0x13: {  	v0 =	vimm.f32 $0.0e+00;
	v1 =	vlaneseq.u32;
	v2 =	vimm.s32 $0x80;
	s3 =	simm.s32 $0x1000;
	[dreg:$0xc] =	wrdreg s0;
	s5 =	simm.s32 $0x0  }
.LBB2_1:
0x14: {  	s0 =	rddreg [dreg:$0x4];
	s1 =	simm.s32 $0x12000  }
0x15: {  	[tilespmem:s1], [sflag:$0x5] =	stream.linear.gather [hbm4b:s0+s4], $0x1, $0x38;
	[tilespmem:$0x12100] =	vst v63  }
0x16: {  	[dreg:$0xd] =	wrdreg s5;
	s13 =	simm.s32 $0x12080;
	s25 =	simm.s32 $0x5  }
0x17: {  	[tilespmem:s13], [sflag:$0x5] =	stream.linear.gather [hbm4b:s0+s4], $0x1, $0x38;
	[tilespmem:$0x12100] =	vst v63  }
0x18: {  	_ =	swait.ge [sflag:s25], $0x1  }
0x19: {  	[sflag:s25] =	ssyncset.done $0x0  }
0x1a: {  	[sflag:s25] =	ssyncadd.s32 $0xFFFFFFFF  }
0x1b: {  	_ =	swait.ge [sflag:s25], $0x1  }
0x1c: {  	[sflag:s25] =	ssyncset.done $0x0  }
0x1d: {  	[sflag:s25] =	ssyncadd.s32 $0xFFFFFFFF  }
0x1e: {  	s29 =	rddreg [dreg:$0x6];
	v3 =	vld [tilespmem:$0x12000]  }
0x1f: {  	v4 =	vld [tilespmem:$0x12080];
	[tilespmem:s4], [sflag:$0x1] =	stream.linear.gather [hbm4b:s29+s4], $0x800, $0x38  }
0x20: {  	s31 =	simm.s32 $0x800;
	s5 =	simm.s32 $0x1040;
	s30 =	rddreg [dreg:$0x7]  }
0x21: {  	[tilespmem:s31], [sflag:$0x2] =	stream.linear.gather [hbm4b:s30+s4], $0x800, $0x38;
	[tilespmem:$0x12100] =	vst v63  }
0x22: {  	[tilespmem:s5+$0xFFFFFFC0] =	vst v0  }
0x23: {  	[tilespmem:s5+$0x30] =	vst v0  }
0x24: {  	[tilespmem:s5+$0x20] =	vst v0  }
0x25: {  	[tilespmem:s5+$0x10] =	vst v0  }
0x26: {  	[tilespmem:s5+$0x0] =	vst v0  }
0x27: {  	[tilespmem:s5+$0xFFFFFFF0] =	vst v0  }
0x28: {  	s7 =	simm.s32 $0x0;
	s1 =	simm.s32 $0x30;
	s0 =	simm.s32 $0x11020;
	[tilespmem:s5+$0xFFFFFFE0] =	vst v0  }
.LBB2_2:
0x29: {  	s7 =	sadd.s32 $0x8, s7;
	[tilespmem:s5+$0xFFFFFFD0] =	vst v0;
	s5 =	sadd.s32 $0x80, s5  }
0x2a: {  	[tilespmem:s5+$0xFFFFFFC0] =	vst v0;
	p0 =	slt.u32 s7, $0x7F8  }
0x2b: {  	[tilespmem:s5+$0x30] =	vst v0  }
.Ltmp0:
0x2c: {  	[tilespmem:s5+$0x20] =	vst v0;
	(pc) =	sbr.rel @p0 .LBB2_2-.Ltmp0, $4  }
0x2d: {  	[tilespmem:s5+$0x10] =	vst v0  }
0x2e: {  	[tilespmem:s5+$0x0] =	vst v0  }
0x2f: {  	[tilespmem:s5+$0xFFFFFFF0] =	vst v0  }
0x30: {  	s6 =	simm.s32 $0x0;
	[tilespmem:s5+$0xFFFFFFE0] =	vst v0  }
0x31: {  	s7 =	simm.s32 $0x0;
	s8 =	sand.u32 $0x7000, s6  }
0x32: {  	s30 =	simm.s32 $0x10;
	s25 =	sand.u32 $0x70, s1;
	s9 =	sand.u32 $0x400, s7  }
0x33: {  	s29 =	simm.s32 $0x20;
	s7 =	sand.u32 $0x40, s7;
	s8 =	sor.u32 s9, s8  }
0x34: {  	s29 =	sand.u32 $0x60, s29;
	s9 =	sand.u32 $0x50, s30;
	s25 =	sor.u32 s25, s8  }
0x35: {  	[tilespmem:s5+$0xFFFFFFD0] =	vst v0;
	s31 =	sor.u32 s7, s8;
	s9 =	sor.u32 s9, s8;
	s8 =	sor.u32 s29, s8;
	v5 =	vor.u32 s25, v1  }
0x36: {  	s5 =	simm.s32 $0x9040;
	s7 =	simm.s32 $0x0;
	v7 =	vor.u32 s31, v1;
	v6 =	vor.u32 s9, v1;
	[tilespmem:s0+$0x10] =	vst v5;
	v5 =	vor.u32 s8, v1  }
.LBB2_4:
0x37: {  	[tilespmem:s0+$0xFFFFFFE0] =	vst v7;
	s1 =	sadd.s32 $0x40, s1;
	s6 =	sadd.s32 $0x800, s6  }
0x38: {  	s7 =	sadd.s32 $0x4, s7;
	s8 =	sadd.s32 $0xFFFFFFD0, s1;
	[tilespmem:s0+$0xFFFFFFF0] =	vst v6;
	s9 =	sand.u32 $0x7000, s6  }
0x39: {  	p0 =	slt.u32 s7, $0x7C;
	s29 =	sand.u32 $0x70, s1;
	s25 =	sand.u32 $0x400, s8;
	[tilespmem:s0+$0x0] =	vst v5  }
.Ltmp1:
0x3a: {  	s9 =	sor.u32 s25, s9;
	s25 =	sadd.s32 $0xFFFFFFE0, s1;
	(pc) =	sbr.rel @p0 .LBB2_4-.Ltmp1, $4  }
0x3b: {  	s30 =	sadd.s32 $0xFFFFFFF0, s1;
	s8 =	sand.u32 $0x40, s8;
	s29 =	sor.u32 s29, s9  }
0x3c: {  	s30 =	sand.u32 $0x60, s30;
	s0 =	sadd.s32 $0x40, s0;
	s25 =	sand.u32 $0x50, s25;
	v5 =	vor.u32 s29, v1  }
0x3d: {  	s8 =	sor.u32 s8, s9;
	s25 =	sor.u32 s25, s9;
	s9 =	sor.u32 s30, s9;
	[tilespmem:s0+$0x10] =	vst v5  }
0x3e: {  	v7 =	vor.u32 s8, v1;
	v6 =	vor.u32 s25, v1;
	v5 =	vor.u32 s9, v1  }
0x3f: {  	[tilespmem:s0+$0xFFFFFFE0] =	vst v7  }
0x40: {  	[tilespmem:s0+$0xFFFFFFF0] =	vst v6  }
0x41: {  	[tilespmem:s0+$0x0] =	vst v5  }
0x42: {  	[tilespmem:s5+$0xFFFFFFC0] =	vst v0  }
0x43: {  	[tilespmem:s5+$0x30] =	vst v0  }
0x44: {  	[tilespmem:s5+$0x20] =	vst v0  }
0x45: {  	[tilespmem:s5+$0x10] =	vst v0  }
0x46: {  	[tilespmem:s5+$0x0] =	vst v0  }
0x47: {  	[tilespmem:s5+$0xFFFFFFF0] =	vst v0  }
0x48: {  	s6 =	simm.s32 $0x0;
	s0 =	simm.s32 $0x11820;
	[tilespmem:s5+$0xFFFFFFE0] =	vst v0  }
.LBB2_6:
0x49: {  	s6 =	sadd.s32 $0x8, s6;
	[tilespmem:s5+$0xFFFFFFD0] =	vst v0;
	s5 =	sadd.s32 $0x80, s5  }
0x4a: {  	[tilespmem:s5+$0xFFFFFFC0] =	vst v0;
	p0 =	slt.u32 s6, $0x7F8  }
0x4b: {  	[tilespmem:s5+$0x30] =	vst v0  }
.Ltmp2:
0x4c: {  	[tilespmem:s5+$0x20] =	vst v0;
	(pc) =	sbr.rel @p0 .LBB2_6-.Ltmp2, $4  }
0x4d: {  	[tilespmem:s5+$0x10] =	vst v0  }
0x4e: {  	[tilespmem:s5+$0x0] =	vst v0  }
0x4f: {  	[tilespmem:s5+$0xFFFFFFF0] =	vst v0  }
0x50: {  	s1 =	simm.s32 $0x0;
	s7 =	simm.s32 $0x30;
	[tilespmem:s5+$0xFFFFFFE0] =	vst v0  }
0x51: {  	s29 =	simm.s32 $0x0;
	s6 =	sand.u32 $0x7000, s1  }
0x52: {  	s30 =	simm.s32 $0x10;
	s7 =	sand.u32 $0x70, s7;
	s8 =	sand.u32 $0x400, s29  }
0x53: {  	[tilespmem:s5+$0xFFFFFFD0] =	vst v0;
	s9 =	simm.s32 $0x20;
	s5 =	sand.u32 $0x40, s29;
	s6 =	sor.u32 s8, s6  }
0x54: {  	s9 =	sand.u32 $0x60, s9;
	s8 =	sand.u32 $0x50, s30;
	s7 =	sor.u32 s7, s6  }
0x55: {  	s31 =	sor.u32 s5, s6;
	s8 =	sor.u32 s8, s6;
	s6 =	sor.u32 s9, s6;
	v5 =	vor.u32 s7, v1  }
0x56: {  	s5 =	simm.s32 $0x0;
	v7 =	vor.u32 s31, v1;
	v6 =	vor.u32 s8, v1;
	[tilespmem:s0+$0x10] =	vst v5;
	v5 =	vor.u32 s6, v1;
	s6 =	simm.s32 $0x70  }
.LBB2_8:
0x57: {  	s7 =	sadd.s32 $0xFFFFFFD0, s6  }
0x58: {  	s5 =	sadd.s32 $0x4, s5;
	[tilespmem:s0+$0xFFFFFFE0] =	vst v7;
	s1 =	sadd.s32 $0x800, s1;
	s25 =	sand.u32 $0x70, s6  }
0x59: {  	s8 =	sand.u32 $0x7000, s1;
	s9 =	sand.u32 $0x400, s7;
	p0 =	slt.u32 s5, $0x7C;
	[tilespmem:s0+$0xFFFFFFF0] =	vst v6  }
.Ltmp3:
0x5a: {  	s8 =	sor.u32 s9, s8;
	s9 =	sadd.s32 $0xFFFFFFE0, s6;
	[tilespmem:s0+$0x0] =	vst v5;
	(pc) =	sbr.rel @p0 .LBB2_8-.Ltmp3, $4  }
0x5b: {  	s29 =	sadd.s32 $0xFFFFFFF0, s6;
	s7 =	sand.u32 $0x40, s7;
	s25 =	sor.u32 s25, s8  }
0x5c: {  	s29 =	sand.u32 $0x60, s29;
	s0 =	sadd.s32 $0x40, s0;
	s9 =	sand.u32 $0x50, s9;
	v5 =	vor.u32 s25, v1  }
0x5d: {  	s7 =	sor.u32 s7, s8;
	s9 =	sor.u32 s9, s8;
	s8 =	sor.u32 s29, s8;
	[tilespmem:s0+$0x10] =	vst v5  }
0x5e: {  	s6 =	sadd.s32 $0x40, s6;
	v7 =	vor.u32 s7, v1;
	v6 =	vor.u32 s9, v1;
	v5 =	vor.u32 s8, v1  }
0x5f: {  	[tilespmem:s0+$0xFFFFFFE0] =	vst v7  }
0x60: {  	[tilespmem:s0+$0xFFFFFFF0] =	vst v6  }
0x61: {  	[tilespmem:s0+$0x0] =	vst v5;
	v3 =	vbroadcast v3, $0x0;
	v4 =	vbroadcast v4, $0x0;
	s7 =	simm.s32 $0x0  }
.LBB2_10:
0x62: {  	p1 =	seq.s32 s7, $0x0  }
0x63: {  	s0 =	simm.s32 @!p1 $0x3  }
0x64: {  	_ =	swait.ge @!p1 [sflag:s0], $0x8000  }
0x65: {  	[sflag:s0] =	ssyncset.done @!p1 $0x0  }
0x66: {  	s6 =	simm.s32 $0x1;
	[sflag:s0] =	ssyncadd.s32 @!p1 $0xFFFF8000  }
0x67: {  	_ =	swait.ge [sflag:s6], $0x800  }
0x68: {  	[sflag:s6] =	ssyncset.done $0x0  }
0x69: {  	s8 =	simm.s32 $0x20;
	[sflag:s6] =	ssyncadd.s32 $0xFFFFF800  }
0x6a: {  	v5 =	vld [tilespmem:s8+$0x10]  }
0x6b: {  	v6 =	vld [tilespmem:s8+$0xFFFFFFF0]  }
0x6c: {  	v7 =	vld [tilespmem:s8+$0x0]  }
0x6d: {  	v8 =	vld [tilespmem:s8+$0xFFFFFFE0];
	_ =	sdelay $0x2  }
0x6e: {  	s29 =	simm.s32 $0x11020  }
0x6f: {  	s6 =	simm.s32 $0x0;
	v13 =	vld [tilespmem:s29+$0x10];
	v5 =	vmax.f32 v5, $-3.500000000e+00;
	v6 =	vmax.f32 v6, $-3.500000000e+00  }
0x70: {  	s5 =	simm.s32 $0x30;
	s9 =	sand.u32 $0x7000, s6;
	s1 =	sand.u32 $0x400, s6;
	v7 =	vmax.f32 v7, $-3.500000000e+00;
	v8 =	vmax.f32 v8, $-3.500000000e+00;
	v5 =	vmin.f32 v5, $3.500000000e+00  }
0x71: {  	s11 =	sand.u32 $0x70, s5;
	s0 =	sor.u32 s1, s9;
	v6 =	vmin.f32 v6, $3.500000000e+00;
	v7 =	vmin.f32 v7, $3.500000000e+00;
	v9 =	vadd.f32 $3.500000000e+00, v5  }
0x72: {  	s1 =	sor.u32 s11, s0;
	v8 =	vmin.f32 v8, $3.500000000e+00;
	v10 =	vadd.f32 $3.500000000e+00, v6;
	v11 =	vadd.f32 $3.500000000e+00, v7  }
0x73: {  	v16 =	vor.u32 s1, v1;
	v12 =	vadd.f32 $3.500000000e+00, v8;
	v9 =	vmul.f32 v9, v3  }
0x74: {  	v14 =	vand.u32 $0x380, v13;
	v10 =	vmul.f32 v10, v3;
	v11 =	vmul.f32 v11, v3  }
0x75: {  	vm1 =	veq.s32 v14, $0x380;
	v12 =	vmul.f32 v12, v3;
	v9 =	vtrunc.f32 v9  }
0x76: {  	v14 =	vand.u32 $0x7F, v16;
	v11 =	vtrunc.f32 v11;
	v9 =	vcvt.f32.s32 v9  }
0x77: {  	v18 =	vsel vm1, $0x480, v2;
	v12 =	vtrunc.f32 v12;
	v11 =	vcvt.f32.s32 v11  }
0x78: {  	v10 =	vtrunc.f32 v10;
	v12 =	vcvt.f32.s32 v12;
	vm0 =	vlt.s32 v9, $0xE  }
0x79: {  	v10 =	vcvt.f32.s32 v10;
	vm2 =	vlt.s32 v11, $0xE;
	v9 =	vnsel vm0, $0xE, v9  }
0x7a: {  	vm0 =	vlt.s32 v12, $0xE;
	v11 =	vnsel vm2, $0xE, v11;
	v15 =	vcvt.s32.f32 v9  }
0x7b: {  	v17 =	vshll.u32 v9, $0x8;
	v9 =	vand.u32 $0x7, v9;
	v12 =	vnsel vm0, $0xE, v12  }
0x7c: {  	v22 =	vcvt.s32.f32 v11;
	v23 =	vshll.u32 v11, $0x8;
	v26 =	vand.u32 $0x7, v11  }
0x7d: {  	v17 =	vand.u32 $0xFFFFF800, v17;
	v19 =	vshll.u32 v9, $0x7;
	vm1 =	veq.s32 v9, $0x7  }
0x7e: {  	v9 =	vadd.s32 v13, v18;
	v15 =	vmul.f32 $4.666666690e-01, v15;
	v16 =	vadd.s32 v16, v17  }
0x7f: {  	v23 =	vand.u32 $0xFFFFF800, v23;
	vm2 =	veq.s32 v26, $0x7;
	v18 =	vor.u32 v19, v16  }
0x80: {  	v16 =	vsel vm1, $0x480, v2;
	vm1 =	vlt.s32 v10, $0xE;
	v15 =	vadd.f32 $-3.500000000e+00, v15  }
0x81: {  	v17 =	vshll.u32 v12, $0x8;
	v16 =	vadd.s32 v16, v18;
	v10 =	vnsel vm1, $0xE, v10  }
0x82: {  	v16 =	vand.u32 $0xFFFFFF80, v16;
	v19 =	vshll.u32 v10, $0x8;
	v5 =	vsub.f32 v5, v15  }
0x83: {  	v15 =	vand.u32 $0xFFFFFF80, v18;
	v24 =	vand.u32 $0xFFFFF800, v19;
	v19 =	vmul.f32 $4.666666690e-01, v22  }
0x84: {  	v15 =	vor.u32 v14, v15;
	v14 =	vor.u32 v14, v16;
	v16 =	vcvt.s32.f32 v10  }
0x85: {  	s13 =	sand.u32 $0x40, s6;
	v63 =	vsel vm2, $0x480, v2;
	v20 =	vmul.f32 v5, v4;
	v5 =	vcvt.s32.f32 v12  }
0x86: {  	s5 =	sor.u32 s13, s0;
	v17 =	vand.u32 $0xFFFFF800, v17;
	v10 =	vand.u32 $0x7, v10;
	v25 =	vadd.f32 $-3.500000000e+00, v19  }
0x87: {  	v19 =	vor.u32 s5, v1;
	v16 =	vmul.f32 $4.666666690e-01, v16;
	v5 =	vmul.f32 $4.666666690e-01, v5  }
0x88: {  	s12 =	simm.s32 $0x10;
	s25 =	simm.s32 $0x20;
	v12 =	vand.u32 $0x7, v12;
	v11 =	vadd.s32 v19, v17;
	v25 =	vsub.f32 v7, v25  }
0x89: {  	s6 =	sand.u32 $0x60, s25;
	s1 =	sand.u32 $0x50, s12;
	v17 =	vshll.u32 v12, $0x7;
	v7 =	vld [tilespmem:s29+$0xFFFFFFF0];
	v16 =	vadd.f32 $-3.500000000e+00, v16;
	v22 =	vadd.f32 $-3.500000000e+00, v5  }
0x8a: {  	s1 =	sor.u32 s1, s0;
	s0 =	sor.u32 s6, s0;
	[tilespmem:v13+s3+$0x0] =	vst.idx.msk $0xffff, v0;
	vm0 =	veq.s32 v12, $0x7;
	v21 =	vsub.f32 $1.000000000e+00, v20;
	v12 =	vor.u32 v17, v11;
	v5 =	vld [tilespmem:s29+$0x0]  }
0x8b: {  	[tilespmem:v9+s3+$0x0] =	vst.idx.msk $0xffff, v0;
	v17 =	vor.u32 s0, v1;
	v8 =	vsub.f32 v8, v22;
	v22 =	vsub.f32 v6, v16;
	v6 =	vld [tilespmem:s29+$0xFFFFFFE0]  }
0x8c: {  	v9 =	vshll.u32 v26, $0x7;
	vm1 =	veq.s32 v10, $0x7;
	v23 =	vadd.s32 v17, v23;
	[tilespmem:v15+s3+$0x0] =	vst.idx.msk $0xffff, v21  }
0x8d: {  	v10 =	vshll.u32 v10, $0x7;
	v15 =	vsel vm0, $0x480, v2;
	v9 =	vor.u32 v9, v23;
	[tilespmem:v14+s3+$0x0] =	vst.idx.msk $0xffff, v20  }
0x8e: {  	v21 =	vadd.s32 v15, v12;
	v16 =	vor.u32 s1, v1;
	[tilespmem:s29+$0x10] =	vst v18;
	v18 =	vadd.s32 v63, v9  }
0x8f: {  	v24 =	vadd.s32 v16, v24;
	v23 =	vand.u32 $0x380, v7;
	v13 =	vmul.f32 v8, v4  }
0x90: {  	v11 =	vmul.f32 v22, v4;
	v10 =	vor.u32 v10, v24;
	v22 =	vsel vm1, $0x480, v2  }
0x91: {  	v8 =	vmul.f32 v25, v4;
	vm1 =	veq.s32 v23, $0x380;
	v14 =	vadd.s32 v22, v10;
	[tilespmem:v7+s3+$0x0] =	vst.idx.msk $0xffff, v0  }
0x92: {  	s30 =	simm.s32 $0x0;
	s31 =	simm.s32 $0x11020;
	s8 =	simm.s32 $0x0;
	v22 =	vand.u32 $0x380, v5;
	v15 =	vsub.f32 $1.000000000e+00, v11;
	v20 =	vand.u32 $0x380, v6;
	[tilespmem:v5+s3+$0x0] =	vst.idx.msk $0xffff, v0  }
0x93: {  	s5 =	sshll.u32 s7, $0xC;
	s0 =	simm.s32 $0x0;
	s1 =	simm.s32 $0x60;
	vm0 =	veq.s32 v22, $0x380;
	vm2 =	veq.s32 v20, $0x380;
	v20 =	vsub.f32 $1.000000000e+00, v13;
	[tilespmem:v6+s3+$0x0] =	vst.idx.msk $0xffff, v0  }
.LBB2_11:
0x94: {  	v22 =	vld [tilespmem:s1+$0x10];
	v21 =	vand.u32 $0xFFFFFF80, v21;
	v23 =	vand.u32 $0xFFFFFF80, v14;
	v14 =	vsub.f32 $1.000000000e+00, v8  }
0x95: {  	v25 =	vand.u32 $0xFFFFFF80, v12;
	v26 =	vand.u32 $0xFFFFFF80, v10;
	v18 =	vand.u32 $0xFFFFFF80, v18;
	v24 =	vld [tilespmem:s1+$0xFFFFFFF0]  }
0x96: {  	s8 =	sadd.s32 $0x4, s8;
	v28 =	vsel vm2, $0x480, v2;
	v29 =	vsel vm1, $0x480, v2;
	v30 =	vand.u32 $0xFFFFFF80, v9;
	v27 =	vld [tilespmem:s1+$0x0]  }
0x97: {  	v19 =	vand.u32 $0x4F, v19;
	v32 =	vand.u32 $0x5F, v16;
	v33 =	vsel vm0, $0x480, v2;
	p0 =	slt.u32 s8, $0x7C;
	v31 =	vld [tilespmem:s1+$0xFFFFFFE0]  }
0x98: {  	v34 =	vand.u32 $0x6F, v17;
	v21 =	vor.u32 v19, v21;
	v23 =	vor.u32 v32, v23  }
0x99: {  	v16 =	vor.u32 v34, v18;
	v17 =	vmax.f32 v22, $-3.500000000e+00;
	v22 =	vor.u32 v19, v25  }
0x9a: {  	v25 =	vor.u32 v32, v26;
	v18 =	vmax.f32 v24, $-3.500000000e+00;
	v24 =	vmin.f32 v17, $3.500000000e+00  }
0x9b: {  	v17 =	vmin.f32 v18, $3.500000000e+00;
	v18 =	vmax.f32 v27, $-3.500000000e+00;
	v26 =	vadd.f32 $3.500000000e+00, v24  }
0x9c: {  	v19 =	vmax.f32 v31, $-3.500000000e+00;
	v27 =	vadd.f32 $3.500000000e+00, v17;
	v18 =	vmin.f32 v18, $3.500000000e+00  }
0x9d: {  	v19 =	vmin.f32 v19, $3.500000000e+00;
	v31 =	vadd.f32 $3.500000000e+00, v18;
	v26 =	vmul.f32 v26, v3  }
0x9e: {  	s29 =	sadd.s32 $0x40, s29;
	v30 =	vor.u32 v34, v30;
	v32 =	vadd.f32 $3.500000000e+00, v19;
	v27 =	vmul.f32 v27, v3  }
0x9f: {  	v28 =	vadd.s32 v6, v28;
	v31 =	vmul.f32 v31, v3;
	v34 =	vld [tilespmem:s29+$0x10];
	v26 =	vtrunc.f32 v26  }
0xa0: {  	s0 =	sadd.s32 $0x800, s0;
	s30 =	sadd.s32 $0x40, s30;
	v29 =	vadd.s32 v7, v29;
	v6 =	vld [tilespmem:s29+$0xFFFFFFE0];
	v32 =	vmul.f32 v32, v3;
	v26 =	vcvt.f32.s32 v26  }
0xa1: {  	s6 =	sand.u32 $0x7000, s0;
	s9 =	sand.u32 $0x400, s30;
	s25 =	sadd.s32 $0x30, s30;
	v33 =	vadd.s32 v5, v33;
	v27 =	vtrunc.f32 v27;
	v7 =	vld [tilespmem:s29+$0xFFFFFFF0];
	v31 =	vtrunc.f32 v31  }
0xa2: {  	s6 =	sor.u32 s9, s6;
	s9 =	sadd.s32 $0x10, s30;
	s25 =	sand.u32 $0x70, s25;
	v27 =	vcvt.f32.s32 v27;
	v32 =	vtrunc.f32 v32;
	v5 =	vld [tilespmem:s29+$0x0];
	vm0 =	vlt.s32 v26, $0xE  }
0xa3: {  	s11 =	sadd.s32 $0x20, s30;
	s9 =	sand.u32 $0x50, s9;
	s12 =	sor.u32 s25, s6;
	v31 =	vcvt.f32.s32 v31;
	v32 =	vcvt.f32.s32 v32;
	v26 =	vnsel vm0, $0xE, v26  }
0xa4: {  	s13 =	sand.u32 $0x40, s30;
	s11 =	sand.u32 $0x60, s11;
	s25 =	sor.u32 s9, s6;
	v37 =	vor.u32 s12, v1;
	v35 =	vand.u32 $0x380, v34;
	v36 =	vcvt.s32.f32 v26;
	[tilespmem:v28+s3+$0x0] =	vst.idx.msk $0xffff, v0  }
0xa5: {  	s9 =	sor.u32 s13, s6;
	s6 =	sor.u32 s11, s6;
	v28 =	vand.u32 $0x7F, v37;
	vm0 =	vlt.s32 v32, $0xE;
	vm1 =	veq.s32 v35, $0x380;
	[tilespmem:v22+s3+$0x0] =	vst.idx.msk $0xffff, v20  }
0xa6: {  	v22 =	vshll.u32 v26, $0x8;
	v26 =	vand.u32 $0x7, v26;
	v20 =	vmul.f32 $4.666666690e-01, v36;
	[tilespmem:v21+s3+$0x0] =	vst.idx.msk $0xffff, v13  }
0xa7: {  	v13 =	vsel vm1, $0x480, v2;
	v21 =	vand.u32 $0xFFFFF800, v22;
	v22 =	vshll.u32 v26, $0x7;
	[tilespmem:s31+$0xFFFFFFE0] =	vst v12  }
0xa8: {  	vm1 =	veq.s32 v26, $0x7;
	v12 =	vadd.f32 $-3.500000000e+00, v20;
	v20 =	vadd.s32 v37, v21;
	[tilespmem:v29+s3+$0x0] =	vst.idx.msk $0xffff, v0  }
0xa9: {  	v13 =	vadd.s32 v34, v13;
	v21 =	vsel vm1, $0x480, v2;
	v20 =	vor.u32 v22, v20;
	[tilespmem:v25+s3+$0x0] =	vst.idx.msk $0xffff, v15  }
0xaa: {  	v12 =	vsub.f32 v24, v12;
	v15 =	vand.u32 $0xFFFFFF80, v20;
	v21 =	vadd.s32 v21, v20;
	[tilespmem:v23+s3+$0x0] =	vst.idx.msk $0xffff, v11  }
0xab: {  	vm1 =	vlt.s32 v27, $0xE;
	v11 =	vor.u32 v28, v15;
	v15 =	vand.u32 $0xFFFFFF80, v21;
	[tilespmem:s31+$0xFFFFFFF0] =	vst v10  }
0xac: {  	vm2 =	vlt.s32 v31, $0xE;
	v10 =	vmul.f32 v12, v4;
	v12 =	vor.u32 v28, v15;
	[tilespmem:v33+s3+$0x0] =	vst.idx.msk $0xffff, v0  }
0xad: {  	v22 =	vnsel vm2, $0xE, v31;
	v21 =	vnsel vm1, $0xE, v27;
	v15 =	vnsel vm0, $0xE, v32;
	[tilespmem:v5+s3+$0x0] =	vst.idx.msk $0xffff, v0  }
0xae: {  	v24 =	vcvt.s32.f32 v21;
	v23 =	vcvt.s32.f32 v15;
	[tilespmem:v34+s3+$0x0] =	vst.idx.msk $0xffff, v0;
	v25 =	vsub.f32 $1.000000000e+00, v10  }
0xaf: {  	v27 =	vshll.u32 v21, $0x8;
	v28 =	vcvt.s32.f32 v22;
	v26 =	vshll.u32 v15, $0x8;
	[tilespmem:v13+s3+$0x0] =	vst.idx.msk $0xffff, v0  }
0xb0: {  	v13 =	vmul.f32 $4.666666690e-01, v23;
	v23 =	vmul.f32 $4.666666690e-01, v24;
	v24 =	vshll.u32 v22, $0x8;
	[tilespmem:v11+s3+$0x0] =	vst.idx.msk $0xffff, v25  }
0xb1: {  	v11 =	vand.u32 $0xFFFFF800, v26;
	v25 =	vand.u32 $0xFFFFF800, v27;
	v26 =	vmul.f32 $4.666666690e-01, v28;
	[tilespmem:v12+s3+$0x0] =	vst.idx.msk $0xffff, v10  }
0xb2: {  	v10 =	vadd.f32 $-3.500000000e+00, v13;
	v12 =	vadd.f32 $-3.500000000e+00, v23;
	v13 =	vand.u32 $0xFFFFF800, v24;
	[tilespmem:s29+$0x10] =	vst v20  }
0xb3: {  	v15 =	vand.u32 $0x7, v15;
	v20 =	vand.u32 $0x7, v21;
	v21 =	vadd.f32 $-3.500000000e+00, v26;
	[tilespmem:v30+s3+$0x0] =	vst.idx.msk $0xffff, v14  }
0xb4: {  	v10 =	vsub.f32 v19, v10;
	v12 =	vsub.f32 v17, v12;
	v14 =	vand.u32 $0x7, v22;
	[tilespmem:v16+s3+$0x0] =	vst.idx.msk $0xffff, v8  }
0xb5: {  	v19 =	vor.u32 s9, v1;
	v16 =	vor.u32 s25, v1;
	v8 =	vsub.f32 v18, v21;
	[tilespmem:s31+$0x0] =	vst v9;
	s31 =	smov.u32 s29  }
0xb6: {  	v17 =	vor.u32 s6, v1;
	v9 =	vadd.s32 v19, v11;
	v18 =	vadd.s32 v16, v25;
	[tilespmem:v6+s3+$0x0] =	vst.idx.msk $0xffff, v0  }
0xb7: {  	vm0 =	veq.s32 v15, $0x7;
	v21 =	vshll.u32 v15, $0x7;
	v15 =	vadd.s32 v17, v13;
	[tilespmem:v7+s3+$0x0] =	vst.idx.msk $0xffff, v0  }
0xb8: {  	v22 =	vshll.u32 v20, $0x7;
	vm1 =	veq.s32 v20, $0x7;
	v20 =	vshll.u32 v14, $0x7  }
0xb9: {  	vm2 =	veq.s32 v14, $0x7;
	v13 =	vmul.f32 v10, v4;
	v11 =	vmul.f32 v12, v4  }
0xba: {  	v12 =	vor.u32 v21, v9;
	v10 =	vor.u32 v22, v18;
	v8 =	vmul.f32 v8, v4  }
.Ltmp4:
0xbb: {  	v14 =	vsel vm0, $0x480, v2;
	v18 =	vsel vm1, $0x480, v2;
	v9 =	vor.u32 v20, v15;
	(pc) =	sbr.rel @p0 .LBB2_11-.Ltmp4, $4  }
0xbc: {  	v15 =	vand.u32 $0x380, v6;
	v20 =	vand.u32 $0x380, v7;
	v22 =	vsel vm2, $0x480, v2  }
0xbd: {  	v23 =	vand.u32 $0x380, v5;
	v21 =	vadd.s32 v14, v12;
	v14 =	vadd.s32 v18, v10  }
0xbe: {  	vm2 =	veq.s32 v15, $0x380;
	vm1 =	veq.s32 v20, $0x380;
	v18 =	vadd.s32 v22, v9  }
0xbf: {  	s1 =	sadd.s32 $0x40, s1;
	vm0 =	veq.s32 v23, $0x380;
	v20 =	vsub.f32 $1.000000000e+00, v13;
	v15 =	vsub.f32 $1.000000000e+00, v11  }
0xc0: {  	v22 =	vsel vm2, $0x480, v2;
	v23 =	vand.u32 $0xFFFFFF80, v12  }
0xc1: {  	v19 =	vand.u32 $0x4F, v19;
	v21 =	vand.u32 $0xFFFFFF80, v21;
	v6 =	vadd.s32 v6, v22  }
0xc2: {  	v22 =	vor.u32 v19, v23;
	v19 =	vor.u32 v19, v21;
	v21 =	vsel vm1, $0x480, v2  }
0xc3: {  	v7 =	vadd.s32 v7, v21  }
0xc4: {  	v16 =	vand.u32 $0x5F, v16;
	v23 =	vand.u32 $0xFFFFFF80, v10  }
0xc5: {  	v21 =	vor.u32 v16, v23  }
0xc6: {  	v14 =	vand.u32 $0xFFFFFF80, v14;
	[tilespmem:v6+s3+$0x0] =	vst.idx.msk $0xffff, v0  }
0xc7: {  	v6 =	vor.u32 v16, v14;
	[tilespmem:v22+s3+$0x0] =	vst.idx.msk $0xffff, v20  }
0xc8: {  	v14 =	vsel vm0, $0x480, v2;
	[tilespmem:v7+s3+$0x0] =	vst.idx.msk $0xffff, v0  }
0xc9: {  	v16 =	vand.u32 $0x6F, v17;
	v5 =	vadd.s32 v5, v14;
	[tilespmem:v19+s3+$0x0] =	vst.idx.msk $0xffff, v13;
	v13 =	vand.u32 $0xFFFFFF80, v9  }
0xca: {  	[tilespmem:v21+s3+$0x0] =	vst.idx.msk $0xffff, v15;
	v13 =	vor.u32 v16, v13  }
0xcb: {  	[tilespmem:s31+$0xFFFFFFE0] =	vst v12;
	v12 =	vand.u32 $0xFFFFFF80, v18  }
0xcc: {  	v7 =	vor.u32 v16, v12;
	[tilespmem:v6+s3+$0x0] =	vst.idx.msk $0xffff, v11  }
0xcd: {  	v6 =	vsub.f32 $1.000000000e+00, v8;
	[tilespmem:s31+$0xFFFFFFF0] =	vst v10  }
0xce: {  	[tilespmem:v5+s3+$0x0] =	vst.idx.msk $0xffff, v0  }
0xcf: {  	[tilespmem:v13+s3+$0x0] =	vst.idx.msk $0xffff, v6  }
0xd0: {  	p0 =	seq.s32 s7, $0xF;
	s0 =	rddreg [dreg:$0x8]  }
0xd1: {  	[tilespmem:v7+s3+$0x0] =	vst.idx.msk $0xffff, v8;
	s0 =	sadd.s32 @!p0 s5, s0  }
0xd2: {  	s1 =	rddreg [dreg:$0x0];
	[tilespmem:s31+$0x0] =	vst v9;
	s0 =	sshrl.u32 @!p0 s0, $0x3  }
0xd3: {  	s9 =	rddreg [dreg:$0x5];
	s0 =	sadd.s32 @!p0 s1, s0;
	s1 =	simm.s32 @!p0 $0x0  }
0xd4: {  	[tilespmem:s1], [sflag:$0x1] =	stream.linear.gather @!p0 [hbm4b:s0+s1], $0x800, $0x38;
	[tilespmem:$0x12100] =	vst v63  }
0xd5: {  	s0 =	sor.u32 s9, s5  }
0xd6: {  	s11 =	sor.u32 s10, s0  }
0xd7: {  	s1 =	sshrl.u32 s11, $0x3  }
0xd8: {  	s12 =	rddreg [dreg:$0x9];
	s1 =	sadd.s32 s2, s1  }
0xd9: {  	[hbm4b:s1+s4] =	stream.linear.scatter [tilespmem:s3], [sflag:$0x3], $0x800, $0x38;
	[tilespmem:$0x12100] =	vst v63  }
0xda: {  	s1 =	sor.u32 s12, s0  }
0xdb: {  	s1 =	sshrl.u32 s1, $0x3  }
0xdc: {  	s6 =	simm.s32 $0x1800;
	s13 =	rddreg [dreg:$0xa];
	s1 =	sadd.s32 s2, s1  }
0xdd: {  	[hbm4b:s1+s4] =	stream.linear.scatter [tilespmem:s6], [sflag:$0x3], $0x800, $0x38;
	[tilespmem:$0x12100] =	vst v63  }
0xde: {  	s1 =	sor.u32 s13, s0  }
0xdf: {  	s1 =	sshrl.u32 s1, $0x3  }
0xe0: {  	s25 =	simm.s32 $0x2000;
	s8 =	rddreg [dreg:$0xb];
	s1 =	sadd.s32 s2, s1  }
0xe1: {  	[hbm4b:s1+s4] =	stream.linear.scatter [tilespmem:s25], [sflag:$0x3], $0x800, $0x38;
	[tilespmem:$0x12100] =	vst v63  }
0xe2: {  	s1 =	sor.u32 s8, s0  }
0xe3: {  	s1 =	sshrl.u32 s1, $0x3  }
0xe4: {  	s9 =	simm.s32 $0x2800;
	s11 =	sor.u32 s14, s0;
	s1 =	sadd.s32 s2, s1  }
0xe5: {  	[hbm4b:s1+s4] =	stream.linear.scatter [tilespmem:s9], [sflag:$0x3], $0x800, $0x38;
	[tilespmem:$0x12100] =	vst v63  }
0xe6: {  	s1 =	sshrl.u32 s11, $0x3  }
0xe7: {  	s12 =	simm.s32 $0x3000;
	s13 =	sor.u32 s15, s0;
	s1 =	sadd.s32 s2, s1  }
0xe8: {  	[hbm4b:s1+s4] =	stream.linear.scatter [tilespmem:s12], [sflag:$0x3], $0x800, $0x38;
	[tilespmem:$0x12100] =	vst v63  }
0xe9: {  	s1 =	sshrl.u32 s13, $0x3  }
0xea: {  	s25 =	simm.s32 $0x3800;
	s8 =	sor.u32 s16, s0;
	s1 =	sadd.s32 s2, s1  }
0xeb: {  	[hbm4b:s1+s4] =	stream.linear.scatter [tilespmem:s25], [sflag:$0x3], $0x800, $0x38;
	[tilespmem:$0x12100] =	vst v63  }
0xec: {  	s1 =	sshrl.u32 s8, $0x3  }
0xed: {  	s9 =	simm.s32 $0x4000;
	s11 =	sor.u32 s17, s0;
	s1 =	sadd.s32 s2, s1  }
0xee: {  	[hbm4b:s1+s4] =	stream.linear.scatter [tilespmem:s9], [sflag:$0x3], $0x800, $0x38;
	[tilespmem:$0x12100] =	vst v63  }
0xef: {  	s1 =	sshrl.u32 s11, $0x3  }
0xf0: {  	s12 =	simm.s32 $0x4800;
	s13 =	sor.u32 s18, s0;
	s1 =	sadd.s32 s2, s1  }
0xf1: {  	[hbm4b:s1+s4] =	stream.linear.scatter [tilespmem:s12], [sflag:$0x3], $0x800, $0x38;
	[tilespmem:$0x12100] =	vst v63  }
0xf2: {  	s1 =	sshrl.u32 s13, $0x3  }
0xf3: {  	s25 =	simm.s32 $0x5000;
	s8 =	sor.u32 s19, s0;
	s1 =	sadd.s32 s2, s1  }
0xf4: {  	[hbm4b:s1+s4] =	stream.linear.scatter [tilespmem:s25], [sflag:$0x3], $0x800, $0x38;
	[tilespmem:$0x12100] =	vst v63  }
0xf5: {  	s1 =	sshrl.u32 s8, $0x3  }
0xf6: {  	s9 =	simm.s32 $0x5800;
	s11 =	sor.u32 s20, s0;
	s1 =	sadd.s32 s2, s1  }
0xf7: {  	[hbm4b:s1+s4] =	stream.linear.scatter [tilespmem:s9], [sflag:$0x3], $0x800, $0x38;
	[tilespmem:$0x12100] =	vst v63  }
0xf8: {  	s1 =	sshrl.u32 s11, $0x3  }
0xf9: {  	s12 =	simm.s32 $0x6000;
	s13 =	sor.u32 s21, s0;
	s1 =	sadd.s32 s2, s1  }
0xfa: {  	[hbm4b:s1+s4] =	stream.linear.scatter [tilespmem:s12], [sflag:$0x3], $0x800, $0x38;
	[tilespmem:$0x12100] =	vst v63  }
0xfb: {  	s1 =	sshrl.u32 s13, $0x3  }
0xfc: {  	s6 =	sor.u32 s22, s0;
	s25 =	simm.s32 $0x6800;
	s1 =	sadd.s32 s2, s1  }
0xfd: {  	[hbm4b:s1+s4] =	stream.linear.scatter [tilespmem:s25], [sflag:$0x3], $0x800, $0x38;
	[tilespmem:$0x12100] =	vst v63  }
0xfe: {  	s1 =	sshrl.u32 s6, $0x3  }
0xff: {  	s8 =	simm.s32 $0x7000;
	s9 =	sor.u32 s26, s0;
	s1 =	sadd.s32 s2, s1  }
0x100: {  	[hbm4b:s1+s4] =	stream.linear.scatter [tilespmem:s8], [sflag:$0x3], $0x800, $0x38;
	[tilespmem:$0x12100] =	vst v63  }
0x101: {  	s1 =	sshrl.u32 s9, $0x3  }
0x102: {  	s11 =	simm.s32 $0x7800;
	s12 =	sor.u32 s23, s0;
	s1 =	sadd.s32 s2, s1  }
0x103: {  	[hbm4b:s1+s4] =	stream.linear.scatter [tilespmem:s11], [sflag:$0x3], $0x800, $0x38;
	[tilespmem:$0x12100] =	vst v63  }
0x104: {  	s0 =	sor.u32 s24, s0;
	s1 =	sshrl.u32 s12, $0x3  }
0x105: {  	s13 =	simm.s32 $0x8000;
	s0 =	sshrl.u32 s0, $0x3;
	s1 =	sadd.s32 s2, s1  }
0x106: {  	[hbm4b:s1+s4] =	stream.linear.scatter [tilespmem:s13], [sflag:$0x3], $0x800, $0x38;
	[tilespmem:$0x12100] =	vst v63  }
0x107: {  	s0 =	sadd.s32 s2, s0;
	s25 =	simm.s32 $0x8800  }
0x108: {  	[hbm4b:s0+s4] =	stream.linear.scatter [tilespmem:s25], [sflag:$0x3], $0x800, $0x38;
	[tilespmem:$0x12100] =	vst v63  }
0x109: {  	s0 =	simm.s32 @!p1 $0x4  }
0x10a: {  	_ =	swait.ge @!p1 [sflag:s0], $0x8000  }
0x10b: {  	[sflag:s0] =	ssyncset.done @!p1 $0x0  }
0x10c: {  	s1 =	simm.s32 $0x2;
	[sflag:s0] =	ssyncadd.s32 @!p1 $0xFFFF8000  }
0x10d: {  	_ =	swait.ge [sflag:s1], $0x800  }
0x10e: {  	[sflag:s1] =	ssyncset.done $0x0  }
0x10f: {  	s6 =	simm.s32 $0x820;
	[sflag:s1] =	ssyncadd.s32 $0xFFFFF800  }
0x110: {  	v5 =	vld [tilespmem:s6+$0x10]  }
0x111: {  	v6 =	vld [tilespmem:s6+$0xFFFFFFF0]  }
0x112: {  	v7 =	vld [tilespmem:s6+$0x0]  }
0x113: {  	v8 =	vld [tilespmem:s6+$0xFFFFFFE0];
	_ =	sdelay $0x2  }
0x114: {  	s29 =	simm.s32 $0x11820  }
0x115: {  	s31 =	simm.s32 $0x0;
	v13 =	vld [tilespmem:s29+$0x10];
	v5 =	vmax.f32 v5, $-3.500000000e+00;
	v6 =	vmax.f32 v6, $-3.500000000e+00  }
0x116: {  	s8 =	sand.u32 $0x7000, s31;
	s9 =	sand.u32 $0x400, s31;
	s11 =	simm.s32 $0x30;
	v7 =	vmax.f32 v7, $-3.500000000e+00;
	v8 =	vmax.f32 v8, $-3.500000000e+00;
	v5 =	vmin.f32 v5, $3.500000000e+00  }
0x117: {  	s12 =	sand.u32 $0x70, s11;
	s0 =	sor.u32 s9, s8;
	v6 =	vmin.f32 v6, $3.500000000e+00;
	v7 =	vmin.f32 v7, $3.500000000e+00;
	v9 =	vadd.f32 $3.500000000e+00, v5  }
0x118: {  	s1 =	sor.u32 s12, s0;
	v8 =	vmin.f32 v8, $3.500000000e+00;
	v10 =	vadd.f32 $3.500000000e+00, v6;
	v11 =	vadd.f32 $3.500000000e+00, v7  }
0x119: {  	v16 =	vor.u32 s1, v1;
	v12 =	vadd.f32 $3.500000000e+00, v8;
	v9 =	vmul.f32 v9, v3  }
0x11a: {  	v14 =	vand.u32 $0x380, v13;
	v10 =	vmul.f32 v10, v3;
	v11 =	vmul.f32 v11, v3  }
0x11b: {  	vm1 =	veq.s32 v14, $0x380;
	v12 =	vmul.f32 v12, v3;
	v9 =	vtrunc.f32 v9  }
0x11c: {  	v14 =	vand.u32 $0x7F, v16;
	v11 =	vtrunc.f32 v11;
	v9 =	vcvt.f32.s32 v9  }
0x11d: {  	v18 =	vsel vm1, $0x480, v2;
	v12 =	vtrunc.f32 v12;
	v11 =	vcvt.f32.s32 v11  }
0x11e: {  	v10 =	vtrunc.f32 v10;
	v12 =	vcvt.f32.s32 v12;
	vm0 =	vlt.s32 v9, $0xE  }
0x11f: {  	v10 =	vcvt.f32.s32 v10;
	vm2 =	vlt.s32 v11, $0xE;
	v9 =	vnsel vm0, $0xE, v9  }
0x120: {  	vm0 =	vlt.s32 v12, $0xE;
	v11 =	vnsel vm2, $0xE, v11;
	v15 =	vcvt.s32.f32 v9  }
0x121: {  	v17 =	vshll.u32 v9, $0x8;
	v9 =	vand.u32 $0x7, v9;
	v12 =	vnsel vm0, $0xE, v12  }
0x122: {  	v23 =	vcvt.s32.f32 v11;
	v24 =	vshll.u32 v11, $0x8;
	v27 =	vand.u32 $0x7, v11  }
0x123: {  	v17 =	vand.u32 $0xFFFFF800, v17;
	v19 =	vshll.u32 v9, $0x7;
	vm1 =	veq.s32 v9, $0x7  }
0x124: {  	v9 =	vadd.s32 v13, v18;
	v30 =	vshll.u32 v27, $0x7;
	vm2 =	veq.s32 v27, $0x7  }
0x125: {  	v15 =	vmul.f32 $4.666666690e-01, v15;
	v16 =	vadd.s32 v16, v17;
	v63 =	vsel vm2, $0x480, v2  }
0x126: {  	v18 =	vor.u32 v19, v16;
	v16 =	vsel vm1, $0x480, v2;
	vm1 =	vlt.s32 v10, $0xE  }
0x127: {  	v19 =	vshll.u32 v12, $0x8;
	v15 =	vadd.f32 $-3.500000000e+00, v15;
	v16 =	vadd.s32 v16, v18  }
0x128: {  	v10 =	vnsel vm1, $0xE, v10;
	v25 =	vand.u32 $0xFFFFF800, v19;
	v19 =	vmul.f32 $4.666666690e-01, v23  }
0x129: {  	v23 =	vand.u32 $0xFFFFF800, v24;
	v16 =	vand.u32 $0xFFFFFF80, v16;
	v17 =	vcvt.s32.f32 v10  }
0x12a: {  	s8 =	sand.u32 $0x40, s31;
	v22 =	vshll.u32 v10, $0x8;
	v10 =	vand.u32 $0x7, v10;
	v5 =	vsub.f32 v5, v15  }
0x12b: {  	s8 =	sor.u32 s8, s0;
	v15 =	vand.u32 $0xFFFFFF80, v18;
	v22 =	vand.u32 $0xFFFFF800, v22;
	v62 =	vadd.f32 $-3.500000000e+00, v19  }
0x12c: {  	v19 =	vor.u32 s8, v1;
	v29 =	vshll.u32 v10, $0x7;
	v15 =	vor.u32 v14, v15  }
0x12d: {  	v14 =	vor.u32 v14, v16;
	v16 =	vcvt.s32.f32 v12;
	v17 =	vmul.f32 $4.666666690e-01, v17  }
0x12e: {  	s13 =	simm.s32 $0x10;
	vm1 =	veq.s32 v10, $0x7;
	v12 =	vand.u32 $0x7, v12;
	v20 =	vmul.f32 v5, v4  }
0x12f: {  	s1 =	sand.u32 $0x50, s13;
	v25 =	vadd.s32 v19, v25;
	v5 =	vld [tilespmem:s29+$0x0];
	v16 =	vmul.f32 $4.666666690e-01, v16;
	v17 =	vadd.f32 $-3.500000000e+00, v17  }
0x130: {  	s25 =	simm.s32 $0x20;
	s1 =	sor.u32 s1, s0;
	v24 =	vsub.f32 v7, v62;
	v7 =	vld [tilespmem:s29+$0xFFFFFFF0];
	v28 =	vshll.u32 v12, $0x7;
	v21 =	vsub.f32 $1.000000000e+00, v20  }
0x131: {  	s6 =	sand.u32 $0x60, s25;
	[tilespmem:v13+s28+$0x0] =	vst.idx.msk $0xffff, v0;
	v16 =	vadd.f32 $-3.500000000e+00, v16;
	v26 =	vsub.f32 v6, v17;
	v17 =	vor.u32 s1, v1;
	v6 =	vld [tilespmem:s29+$0xFFFFFFE0]  }
0x132: {  	s0 =	sor.u32 s6, s0;
	[tilespmem:v9+s28+$0x0] =	vst.idx.msk $0xffff, v0;
	vm0 =	veq.s32 v12, $0x7;
	v12 =	vor.u32 v28, v25;
	v22 =	vadd.s32 v17, v22  }
0x133: {  	[tilespmem:v15+s28+$0x0] =	vst.idx.msk $0xffff, v21;
	v15 =	vsel vm0, $0x480, v2;
	v8 =	vsub.f32 v8, v16;
	v16 =	vor.u32 s0, v1  }
0x134: {  	v11 =	vmul.f32 v26, v4;
	v10 =	vor.u32 v29, v22;
	v22 =	vsel vm1, $0x480, v2;
	[tilespmem:v14+s28+$0x0] =	vst.idx.msk $0xffff, v20  }
0x135: {  	v21 =	vadd.s32 v15, v12;
	v23 =	vadd.s32 v16, v23;
	v14 =	vadd.s32 v22, v10  }
0x136: {  	[tilespmem:s29+$0x10] =	vst v18;
	v22 =	vand.u32 $0x380, v5;
	v13 =	vmul.f32 v8, v4;
	v8 =	vmul.f32 v24, v4  }
0x137: {  	v9 =	vor.u32 v30, v23;
	v23 =	vand.u32 $0x380, v7;
	v15 =	vsub.f32 $1.000000000e+00, v11;
	[tilespmem:v5+s28+$0x0] =	vst.idx.msk $0xffff, v0  }
0x138: {  	s7 =	sadd.s32 $0x1, s7;
	s30 =	simm.s32 $0x0;
	s5 =	sor.u32 $0x800, s5;
	vm0 =	veq.s32 v22, $0x380;
	v20 =	vand.u32 $0x380, v6;
	vm1 =	veq.s32 v23, $0x380;
	[tilespmem:v7+s28+$0x0] =	vst.idx.msk $0xffff, v0  }
0x139: {  	s8 =	simm.s32 $0x11820;
	s1 =	simm.s32 $0x0;
	s0 =	simm.s32 $0x860;
	v18 =	vadd.s32 v63, v9;
	vm2 =	veq.s32 v20, $0x380;
	v20 =	vsub.f32 $1.000000000e+00, v13;
	[tilespmem:v6+s28+$0x0] =	vst.idx.msk $0xffff, v0  }
.LBB2_13:
0x13a: {  	v22 =	vld [tilespmem:s0+$0x10];
	v21 =	vand.u32 $0xFFFFFF80, v21;
	v23 =	vand.u32 $0xFFFFFF80, v14;
	v14 =	vsub.f32 $1.000000000e+00, v8  }
0x13b: {  	v25 =	vand.u32 $0xFFFFFF80, v12;
	v26 =	vand.u32 $0xFFFFFF80, v10;
	v18 =	vand.u32 $0xFFFFFF80, v18;
	v24 =	vld [tilespmem:s0+$0xFFFFFFF0]  }
0x13c: {  	s1 =	sadd.s32 $0x4, s1;
	v28 =	vsel vm2, $0x480, v2;
	v29 =	vsel vm1, $0x480, v2;
	v30 =	vand.u32 $0xFFFFFF80, v9;
	v27 =	vld [tilespmem:s0+$0x0]  }
0x13d: {  	v19 =	vand.u32 $0x4F, v19;
	v17 =	vand.u32 $0x5F, v17;
	v32 =	vsel vm0, $0x480, v2;
	p1 =	slt.u32 s1, $0x7C;
	v31 =	vld [tilespmem:s0+$0xFFFFFFE0]  }
0x13e: {  	v33 =	vand.u32 $0x6F, v16;
	v21 =	vor.u32 v19, v21;
	v23 =	vor.u32 v17, v23  }
0x13f: {  	v25 =	vor.u32 v19, v25;
	v16 =	vor.u32 v33, v18;
	v22 =	vmax.f32 v22, $-3.500000000e+00  }
0x140: {  	v18 =	vmax.f32 v24, $-3.500000000e+00;
	v22 =	vmin.f32 v22, $3.500000000e+00;
	v24 =	vor.u32 v17, v26  }
0x141: {  	v17 =	vmin.f32 v18, $3.500000000e+00;
	v18 =	vmax.f32 v27, $-3.500000000e+00;
	v26 =	vadd.f32 $3.500000000e+00, v22  }
0x142: {  	v19 =	vmax.f32 v31, $-3.500000000e+00;
	v27 =	vadd.f32 $3.500000000e+00, v17;
	v18 =	vmin.f32 v18, $3.500000000e+00  }
0x143: {  	v19 =	vmin.f32 v19, $3.500000000e+00;
	v31 =	vadd.f32 $3.500000000e+00, v18;
	v26 =	vmul.f32 v26, v3  }
0x144: {  	s29 =	sadd.s32 $0x40, s29;
	v30 =	vor.u32 v33, v30;
	v34 =	vadd.f32 $3.500000000e+00, v19;
	v27 =	vmul.f32 v27, v3  }
0x145: {  	v28 =	vadd.s32 v6, v28;
	v31 =	vmul.f32 v31, v3;
	v33 =	vld [tilespmem:s29+$0x10];
	v26 =	vtrunc.f32 v26  }
0x146: {  	s31 =	sadd.s32 $0x800, s31;
	s30 =	sadd.s32 $0x40, s30;
	v29 =	vadd.s32 v7, v29;
	v6 =	vld [tilespmem:s29+$0xFFFFFFE0];
	v34 =	vmul.f32 v34, v3;
	v26 =	vcvt.f32.s32 v26  }
0x147: {  	s6 =	sand.u32 $0x7000, s31;
	s9 =	sand.u32 $0x400, s30;
	s11 =	sadd.s32 $0x30, s30;
	v32 =	vadd.s32 v5, v32;
	v27 =	vtrunc.f32 v27;
	v7 =	vld [tilespmem:s29+$0xFFFFFFF0];
	v31 =	vtrunc.f32 v31  }
0x148: {  	s6 =	sor.u32 s9, s6;
	s9 =	sadd.s32 $0x10, s30;
	s11 =	sand.u32 $0x70, s11;
	v27 =	vcvt.f32.s32 v27;
	v34 =	vtrunc.f32 v34;
	v5 =	vld [tilespmem:s29+$0x0];
	vm0 =	vlt.s32 v26, $0xE  }
0x149: {  	s12 =	sadd.s32 $0x20, s30;
	s9 =	sand.u32 $0x50, s9;
	s11 =	sor.u32 s11, s6;
	v31 =	vcvt.f32.s32 v31;
	v34 =	vcvt.f32.s32 v34;
	v26 =	vnsel vm0, $0xE, v26  }
0x14a: {  	s13 =	sand.u32 $0x40, s30;
	s12 =	sand.u32 $0x60, s12;
	s25 =	sor.u32 s9, s6;
	v37 =	vor.u32 s11, v1;
	v35 =	vand.u32 $0x380, v33;
	v36 =	vcvt.s32.f32 v26;
	[tilespmem:v28+s28+$0x0] =	vst.idx.msk $0xffff, v0  }
0x14b: {  	s9 =	sor.u32 s13, s6;
	s6 =	sor.u32 s12, s6;
	v28 =	vand.u32 $0x7F, v37;
	vm0 =	vlt.s32 v34, $0xE;
	vm1 =	veq.s32 v35, $0x380;
	[tilespmem:v25+s28+$0x0] =	vst.idx.msk $0xffff, v20  }
0x14c: {  	v25 =	vshll.u32 v26, $0x8;
	v26 =	vand.u32 $0x7, v26;
	v20 =	vmul.f32 $4.666666690e-01, v36;
	[tilespmem:v21+s28+$0x0] =	vst.idx.msk $0xffff, v13  }
0x14d: {  	v13 =	vsel vm1, $0x480, v2;
	v21 =	vand.u32 $0xFFFFF800, v25;
	v25 =	vshll.u32 v26, $0x7;
	[tilespmem:s8+$0xFFFFFFE0] =	vst v12  }
0x14e: {  	vm1 =	veq.s32 v26, $0x7;
	v12 =	vadd.f32 $-3.500000000e+00, v20;
	v20 =	vadd.s32 v37, v21;
	[tilespmem:v29+s28+$0x0] =	vst.idx.msk $0xffff, v0  }
0x14f: {  	v13 =	vadd.s32 v33, v13;
	v21 =	vsel vm1, $0x480, v2;
	v20 =	vor.u32 v25, v20;
	[tilespmem:v24+s28+$0x0] =	vst.idx.msk $0xffff, v15  }
0x150: {  	v12 =	vsub.f32 v22, v12;
	v15 =	vand.u32 $0xFFFFFF80, v20;
	v21 =	vadd.s32 v21, v20;
	[tilespmem:v23+s28+$0x0] =	vst.idx.msk $0xffff, v11  }
0x151: {  	vm1 =	vlt.s32 v27, $0xE;
	v11 =	vor.u32 v28, v15;
	v15 =	vand.u32 $0xFFFFFF80, v21;
	[tilespmem:s8+$0xFFFFFFF0] =	vst v10  }
0x152: {  	vm2 =	vlt.s32 v31, $0xE;
	v10 =	vmul.f32 v12, v4;
	v12 =	vor.u32 v28, v15;
	[tilespmem:v32+s28+$0x0] =	vst.idx.msk $0xffff, v0  }
0x153: {  	v22 =	vnsel vm2, $0xE, v31;
	v21 =	vnsel vm1, $0xE, v27;
	v15 =	vnsel vm0, $0xE, v34;
	[tilespmem:v5+s28+$0x0] =	vst.idx.msk $0xffff, v0  }
0x154: {  	v24 =	vcvt.s32.f32 v21;
	v23 =	vcvt.s32.f32 v15;
	[tilespmem:v33+s28+$0x0] =	vst.idx.msk $0xffff, v0;
	v25 =	vsub.f32 $1.000000000e+00, v10  }
0x155: {  	v27 =	vshll.u32 v21, $0x8;
	v28 =	vcvt.s32.f32 v22;
	v26 =	vshll.u32 v15, $0x8;
	[tilespmem:v13+s28+$0x0] =	vst.idx.msk $0xffff, v0  }
0x156: {  	v13 =	vmul.f32 $4.666666690e-01, v23;
	v23 =	vmul.f32 $4.666666690e-01, v24;
	v24 =	vshll.u32 v22, $0x8;
	[tilespmem:v11+s28+$0x0] =	vst.idx.msk $0xffff, v25  }
0x157: {  	v11 =	vand.u32 $0xFFFFF800, v26;
	v25 =	vand.u32 $0xFFFFF800, v27;
	v26 =	vmul.f32 $4.666666690e-01, v28;
	[tilespmem:v12+s28+$0x0] =	vst.idx.msk $0xffff, v10  }
0x158: {  	v10 =	vadd.f32 $-3.500000000e+00, v13;
	v12 =	vadd.f32 $-3.500000000e+00, v23;
	v13 =	vand.u32 $0xFFFFF800, v24;
	[tilespmem:s29+$0x10] =	vst v20  }
0x159: {  	v15 =	vand.u32 $0x7, v15;
	v20 =	vand.u32 $0x7, v21;
	v21 =	vadd.f32 $-3.500000000e+00, v26;
	[tilespmem:v30+s28+$0x0] =	vst.idx.msk $0xffff, v14  }
0x15a: {  	v10 =	vsub.f32 v19, v10;
	v12 =	vsub.f32 v17, v12;
	v14 =	vand.u32 $0x7, v22;
	[tilespmem:v16+s28+$0x0] =	vst.idx.msk $0xffff, v8  }
0x15b: {  	v19 =	vor.u32 s9, v1;
	v17 =	vor.u32 s25, v1;
	v8 =	vsub.f32 v18, v21;
	[tilespmem:s8+$0x0] =	vst v9;
	s8 =	smov.u32 s29  }
0x15c: {  	v18 =	vadd.s32 v17, v25;
	v16 =	vor.u32 s6, v1;
	v9 =	vadd.s32 v19, v11;
	[tilespmem:v6+s28+$0x0] =	vst.idx.msk $0xffff, v0  }
0x15d: {  	vm0 =	veq.s32 v15, $0x7;
	v21 =	vshll.u32 v15, $0x7;
	v15 =	vadd.s32 v16, v13;
	[tilespmem:v7+s28+$0x0] =	vst.idx.msk $0xffff, v0  }
0x15e: {  	v22 =	vshll.u32 v20, $0x7;
	vm1 =	veq.s32 v20, $0x7;
	v20 =	vshll.u32 v14, $0x7  }
0x15f: {  	vm2 =	veq.s32 v14, $0x7;
	v13 =	vmul.f32 v10, v4;
	v11 =	vmul.f32 v12, v4  }
0x160: {  	v10 =	vor.u32 v22, v18;
	v12 =	vor.u32 v21, v9;
	v8 =	vmul.f32 v8, v4  }
.Ltmp5:
0x161: {  	v14 =	vsel vm0, $0x480, v2;
	v18 =	vsel vm1, $0x480, v2;
	v9 =	vor.u32 v20, v15;
	(pc) =	sbr.rel @p1 .LBB2_13-.Ltmp5, $4  }
0x162: {  	v22 =	vsel vm2, $0x480, v2;
	v15 =	vand.u32 $0x380, v6;
	v20 =	vand.u32 $0x380, v7  }
0x163: {  	v23 =	vand.u32 $0x380, v5;
	v21 =	vadd.s32 v14, v12;
	v14 =	vadd.s32 v18, v10  }
0x164: {  	vm2 =	veq.s32 v15, $0x380;
	vm1 =	veq.s32 v20, $0x380;
	v18 =	vadd.s32 v22, v9  }
0x165: {  	s0 =	sadd.s32 $0x40, s0;
	vm0 =	veq.s32 v23, $0x380;
	v20 =	vsub.f32 $1.000000000e+00, v13;
	v15 =	vsub.f32 $1.000000000e+00, v11  }
0x166: {  	v22 =	vsel vm2, $0x480, v2  }
0x167: {  	v58 =	vsel vm1, $0x480, v2;
	v6 =	vadd.s32 v6, v22  }
0x168: {  	v61 =	vsel vm0, $0x480, v2;
	v7 =	vadd.s32 v7, v58  }
0x169: {  	v23 =	vand.u32 $0xFFFFFF80, v12;
	v19 =	vand.u32 $0x4F, v19;
	v5 =	vadd.s32 v5, v61  }
0x16a: {  	v21 =	vand.u32 $0xFFFFFF80, v21;
	v57 =	vor.u32 v19, v23  }
0x16b: {  	v59 =	vand.u32 $0xFFFFFF80, v10;
	v17 =	vand.u32 $0x5F, v17;
	v19 =	vor.u32 v19, v21  }
0x16c: {  	v60 =	vor.u32 v17, v59;
	[tilespmem:v6+s28+$0x0] =	vst.idx.msk $0xffff, v0  }
0x16d: {  	v14 =	vand.u32 $0xFFFFFF80, v14;
	[tilespmem:v7+s28+$0x0] =	vst.idx.msk $0xffff, v0  }
0x16e: {  	v6 =	vor.u32 v17, v14;
	[tilespmem:v5+s28+$0x0] =	vst.idx.msk $0xffff, v0  }
0x16f: {  	v62 =	vand.u32 $0xFFFFFF80, v9;
	v16 =	vand.u32 $0x6F, v16;
	[tilespmem:v57+s28+$0x0] =	vst.idx.msk $0xffff, v20  }
0x170: {  	[tilespmem:v19+s28+$0x0] =	vst.idx.msk $0xffff, v13;
	v13 =	vor.u32 v16, v62  }
0x171: {  	[tilespmem:v60+s28+$0x0] =	vst.idx.msk $0xffff, v15  }
0x172: {  	v63 =	vand.u32 $0xFFFFFF80, v18;
	[tilespmem:s8+$0xFFFFFFE0] =	vst v12  }
0x173: {  	v7 =	vor.u32 v16, v63;
	[tilespmem:v6+s28+$0x0] =	vst.idx.msk $0xffff, v11;
	v6 =	vsub.f32 $1.000000000e+00, v8  }
0x174: {  	[tilespmem:s8+$0xFFFFFFF0] =	vst v10  }
0x175: {  	[tilespmem:v13+s28+$0x0] =	vst.idx.msk $0xffff, v6  }
0x176: {  	s0 =	rddreg [dreg:$0x8]  }
0x177: {  	s0 =	sadd.s32 @!p0 s5, s0  }
0x178: {  	s1 =	rddreg [dreg:$0x0];
	[tilespmem:v7+s28+$0x0] =	vst.idx.msk $0xffff, v8;
	s0 =	sshrl.u32 @!p0 s0, $0x3  }
0x179: {  	s6 =	simm.s32 @!p0 $0x800;
	[tilespmem:s8+$0x0] =	vst v9;
	s0 =	sadd.s32 @!p0 s1, s0;
	s1 =	simm.s32 @!p0 $0x0  }
0x17a: {  	[tilespmem:s6], [sflag:$0x2] =	stream.linear.gather @!p0 [hbm4b:s0+s1], $0x800, $0x38;
	[tilespmem:$0x12100] =	vst v63  }
0x17b: {  	s6 =	rddreg [dreg:$0x5]  }
0x17c: {  	s0 =	sor.u32 s6, s5  }
0x17d: {  	s8 =	sor.u32 s10, s0  }
0x17e: {  	s1 =	sshrl.u32 s8, $0x3  }
0x17f: {  	s9 =	rddreg [dreg:$0x9];
	s1 =	sadd.s32 s2, s1  }
0x180: {  	[hbm4b:s1+s4] =	stream.linear.scatter [tilespmem:s28], [sflag:$0x4], $0x800, $0x38;
	[tilespmem:$0x12100] =	vst v63  }
0x181: {  	s1 =	sor.u32 s9, s0  }
0x182: {  	s1 =	sshrl.u32 s1, $0x3  }
0x183: {  	s11 =	simm.s32 $0x9800;
	s12 =	rddreg [dreg:$0xa];
	s1 =	sadd.s32 s2, s1  }
0x184: {  	[hbm4b:s1+s4] =	stream.linear.scatter [tilespmem:s11], [sflag:$0x4], $0x800, $0x38;
	[tilespmem:$0x12100] =	vst v63  }
0x185: {  	s1 =	sor.u32 s12, s0  }
0x186: {  	s1 =	sshrl.u32 s1, $0x3  }
0x187: {  	s13 =	simm.s32 $0xA000;
	s25 =	rddreg [dreg:$0xb];
	s1 =	sadd.s32 s2, s1  }
0x188: {  	[hbm4b:s1+s4] =	stream.linear.scatter [tilespmem:s13], [sflag:$0x4], $0x800, $0x38;
	[tilespmem:$0x12100] =	vst v63  }
0x189: {  	s1 =	sor.u32 s25, s0  }
0x18a: {  	s1 =	sshrl.u32 s1, $0x3  }
0x18b: {  	s29 =	simm.s32 $0xA800;
	s30 =	sor.u32 s14, s0;
	s1 =	sadd.s32 s2, s1  }
0x18c: {  	[hbm4b:s1+s4] =	stream.linear.scatter [tilespmem:s29], [sflag:$0x4], $0x800, $0x38;
	[tilespmem:$0x12100] =	vst v63  }
0x18d: {  	s1 =	sshrl.u32 s30, $0x3  }
0x18e: {  	s31 =	simm.s32 $0xB000;
	s6 =	sor.u32 s15, s0;
	s1 =	sadd.s32 s2, s1  }
0x18f: {  	[hbm4b:s1+s4] =	stream.linear.scatter [tilespmem:s31], [sflag:$0x4], $0x800, $0x38;
	[tilespmem:$0x12100] =	vst v63  }
0x190: {  	s1 =	sshrl.u32 s6, $0x3  }
0x191: {  	s8 =	simm.s32 $0xB800;
	s9 =	sor.u32 s16, s0;
	s1 =	sadd.s32 s2, s1  }
0x192: {  	[hbm4b:s1+s4] =	stream.linear.scatter [tilespmem:s8], [sflag:$0x4], $0x800, $0x38;
	[tilespmem:$0x12100] =	vst v63  }
0x193: {  	s1 =	sshrl.u32 s9, $0x3  }
0x194: {  	s11 =	simm.s32 $0xC000;
	s12 =	sor.u32 s17, s0;
	s1 =	sadd.s32 s2, s1  }
0x195: {  	[hbm4b:s1+s4] =	stream.linear.scatter [tilespmem:s11], [sflag:$0x4], $0x800, $0x38;
	[tilespmem:$0x12100] =	vst v63  }
0x196: {  	s1 =	sshrl.u32 s12, $0x3  }
0x197: {  	s13 =	simm.s32 $0xC800;
	s25 =	sor.u32 s18, s0;
	s1 =	sadd.s32 s2, s1  }
0x198: {  	[hbm4b:s1+s4] =	stream.linear.scatter [tilespmem:s13], [sflag:$0x4], $0x800, $0x38;
	[tilespmem:$0x12100] =	vst v63  }
0x199: {  	s1 =	sshrl.u32 s25, $0x3  }
0x19a: {  	s29 =	simm.s32 $0xD000;
	s30 =	sor.u32 s19, s0;
	s1 =	sadd.s32 s2, s1  }
0x19b: {  	[hbm4b:s1+s4] =	stream.linear.scatter [tilespmem:s29], [sflag:$0x4], $0x800, $0x38;
	[tilespmem:$0x12100] =	vst v63  }
0x19c: {  	s1 =	sshrl.u32 s30, $0x3  }
0x19d: {  	s5 =	sor.u32 s20, s0;
	s31 =	simm.s32 $0xD800;
	s1 =	sadd.s32 s2, s1  }
0x19e: {  	[hbm4b:s1+s4] =	stream.linear.scatter [tilespmem:s31], [sflag:$0x4], $0x800, $0x38;
	[tilespmem:$0x12100] =	vst v63  }
0x19f: {  	s1 =	sshrl.u32 s5, $0x3  }
0x1a0: {  	s6 =	simm.s32 $0xE000;
	s8 =	sor.u32 s21, s0;
	s1 =	sadd.s32 s2, s1  }
0x1a1: {  	[hbm4b:s1+s4] =	stream.linear.scatter [tilespmem:s6], [sflag:$0x4], $0x800, $0x38;
	[tilespmem:$0x12100] =	vst v63  }
0x1a2: {  	s1 =	sshrl.u32 s8, $0x3  }
0x1a3: {  	s9 =	simm.s32 $0xE800;
	s11 =	sor.u32 s22, s0;
	s1 =	sadd.s32 s2, s1  }
0x1a4: {  	[hbm4b:s1+s4] =	stream.linear.scatter [tilespmem:s9], [sflag:$0x4], $0x800, $0x38;
	[tilespmem:$0x12100] =	vst v63  }
0x1a5: {  	s1 =	sshrl.u32 s11, $0x3  }
0x1a6: {  	s12 =	simm.s32 $0xF000;
	s13 =	sor.u32 s26, s0;
	s1 =	sadd.s32 s2, s1  }
0x1a7: {  	[hbm4b:s1+s4] =	stream.linear.scatter [tilespmem:s12], [sflag:$0x4], $0x800, $0x38;
	[tilespmem:$0x12100] =	vst v63  }
0x1a8: {  	p0 =	sne.s32 s7, $0x10;
	s1 =	sshrl.u32 s13, $0x3  }
0x1a9: {  	s25 =	simm.s32 $0xF800;
	s29 =	sor.u32 s23, s0;
	s1 =	sadd.s32 s2, s1  }
0x1aa: {  	[hbm4b:s1+s4] =	stream.linear.scatter [tilespmem:s25], [sflag:$0x4], $0x800, $0x38;
	[tilespmem:$0x12100] =	vst v63  }
.Ltmp6:
0x1ab: {  	s0 =	sor.u32 s24, s0;
	s1 =	sshrl.u32 s29, $0x3;
	(pc) =	sbr.rel @p0 .LBB2_10-.Ltmp6, $4  }
0x1ac: {  	s30 =	simm.s32 $0x10000;
	s0 =	sshrl.u32 s0, $0x3;
	s1 =	sadd.s32 s2, s1  }
0x1ad: {  	[hbm4b:s1+s4] =	stream.linear.scatter [tilespmem:s30], [sflag:$0x4], $0x800, $0x38;
	[tilespmem:$0x12100] =	vst v63  }
0x1ae: {  	s0 =	sadd.s32 s2, s0;
	s31 =	simm.s32 $0x10800  }
0x1af: {  	[hbm4b:s0+s4] =	stream.linear.scatter [tilespmem:s31], [sflag:$0x4], $0x800, $0x38;
	[tilespmem:$0x12100] =	vst v63  }
0x1b0: {  	s0 =	simm.s32 $0x3  }
0x1b1: {  	_ =	swait.ge [sflag:s0], $0x8000  }
0x1b2: {  	[sflag:s0] =	ssyncset.done $0x0  }
0x1b3: {  	s1 =	simm.s32 $0x4;
	[sflag:s0] =	ssyncadd.s32 $0xFFFF8000  }
0x1b4: {  	_ =	swait.ge [sflag:s1], $0x8000  }
0x1b5: {  	s5 =	rddreg [dreg:$0xd]  }
0x1b6: {  	s31 =	rddreg [dreg:$0xc];
	s5 =	sadd.s32 $0x1, s5  }
0x1b7: {  	p0 =	sne.s32 s5, s31  }
.Ltmp7:
0x1b8: {  	_ = 	snop;
	(pc) =	sbr.rel @p0 .LBB2_1-.Ltmp7, $3  }
0x1b9: {  	_ =	sdelay $0x1  }
0x1ba: {  	[sflag:s1] =	ssyncset.done $0x0  }
0x1bb: {  	[sflag:s1] =	ssyncadd.s32 $0xFFFF8000  }
0x1bc: {  	_ =	sfence.sel $0x180000  }
0x1bd: {  	[bflag:$0x0] =	sbarrier.arrive $0xFFFF  }
0x1be: {  	_ =	strace $0x90000047  }
0x1bf: {  	s0 =	stileid.u32;
	[bflag:$0x2] =	sbarrier.arrive $0xFFFF  }
0x1c0: {  	p0 =	sne.s32 s0, $0x0;
	s0 =	rddreg [dreg:$0x3]  }
0x1c1: {  	s0 =	sadd.s32 @!p0 $0x100000, s0  }
0x1c2: {  	[sflag:s0] =	ssyncadd.tile.s32 @!p0 $0x1;
	_ =	shalt  }
.Lfunc_end2:
_tile_overlayer_lowered:
.L_overlay_start_2:
0x1c3: {  	(tag) =	ssettag $0x2  }
0x1c4: {  	s0 =	rddreg [dreg:$0x0];
	s2 =	stileid.u32  }
0x1c5: {  	s1 =	rddreg [dreg:$0x1];
	p0 =	sne.s32 s2, $0x0  }
0x1c6: {  	s3 =	rddreg [dreg:$0x2];
	[bflag:$0x3] =	sbarrier.arrive $0xFFFF;
	s2 =	simm.s32 @!p0 $0x1C05  }
0x1c7: {  	[timem:s3], [sflag:s2] =	dma.local @!p0 [hbm:s0], s1  }
0x1c8: {  	s0 =	simm.s32 @!p0 $0x5  }
0x1c9: {  	_ =	swait.ge @!p0 [sflag:s0], s1  }
0x1ca: {  	s1 =	ssub.s32 @!p0 $0x0, s1;
	[sflag:s0] =	ssyncset.done @!p0 $0x0  }
0x1cb: {  	[sflag:s0] =	ssyncadd.s32 @!p0 s1  }
0x1cc: {  	[bflag:$0x3] =	sbarrier.arrive $0xFFFF  }
0x1cd: {  	_ =	shalt  }

</sc_bundles>
